<compile_context>
chip_gen: v7x
topology: tpu7x:2x2x1
jax: 0.10.2.dev20260603
libtpu: 0.0.44.dev20260713+nightly
codegen_flags: <defaults>
</compile_context>

<pallas_src>
import functools
import math

import jax
import jax.numpy as jnp
import numpy as np
from jax import lax
from jax.experimental import pallas as pl
from jax.experimental.pallas import tpu as pltpu
from jax.experimental.pallas import tpu_sc as plsc

EMB = 32
VOCAB = 1000000
MAX_LEN = 5000
B = 4096
L = 200
SCALE = math.sqrt(EMB)

NC = 2
NS = 16
NW = NC * NS
BW = B // NW
KA = 4096
S = 62 * KA
SB = S // KA
LASTB = (VOCAB - 1) // KA
NQ = 4
GID0 = 128
GID1 = L - GID0


def _build_pe():
    pos = np.arange(MAX_LEN, dtype=np.float32)[:, None]
    div = np.exp(np.arange(0, EMB, 2, dtype=np.float32) * (-math.log(10000.0) / EMB))
    pe = np.zeros((MAX_LEN, EMB), np.float32)
    pe[:, 0::2] = np.sin(pos * div)
    pe[:, 1::2] = np.cos(pos * div)
    return pe[:L]


_PE = _build_pe()

_mesh = plsc.VectorSubcoreMesh(core_axis_name="c", subcore_axis_name="s")



def _tk_body(t0, t1, t2, t3, out_ref):
    eye_s = jnp.eye(EMB, dtype=jnp.float32) * SCALE
    for q, t in enumerate((t0, t1, t2, t3)):
        out_ref[:, q * 32:(q + 1) * 32] = lax.dot_general(
            t[...], eye_s, (((0,), (0,)), ((), ()))
        )


def _mk_in_spec(q):
    return pl.BlockSpec((EMB, KA), lambda j, q=q: (0, jnp.minimum(j + q * SB, LASTB)))


_transpose_tc = pl.pallas_call(
    _tk_body,
    grid=(SB,),
    in_specs=[_mk_in_spec(q) for q in range(4)],
    out_specs=pl.BlockSpec((KA, 128), lambda j: (j, 0)),
    out_shape=jax.ShapeDtypeStruct((S, 128), jnp.float32),
)



@functools.partial(
    pl.kernel,
    mesh=_mesh,
    compiler_params=pltpu.CompilerParams(use_tc_tiling_on_sc=False),
    out_type=jax.ShapeDtypeStruct((B, L, EMB), jnp.float32),
    scratch_types=[
        pltpu.VMEM((BW, L), jnp.int32),
        pltpu.VMEM((L, EMB), jnp.float32),
        pltpu.VMEM((L, EMB), jnp.float32),
        pltpu.VMEM((L, EMB), jnp.float32),
        pltpu.SemaphoreType.DMA((2,)),
        pltpu.SemaphoreType.DMA((2,)),
    ],
)
def _gather_kernel(tL, x2, pe, out, idx_v, pe_v, gbuf0, gbuf1, gsem, ssem):
    gbufs = (gbuf0, gbuf1)
    wid = lax.axis_index("s") * NC + lax.axis_index("c")
    b0 = wid * BW

    pltpu.sync_copy(x2.at[pl.ds(b0, BW)], idx_v)
    pltpu.sync_copy(pe, pe_v)

    def gather_descs(b, slot):
        return [
            pltpu.make_async_copy(
                tL.at[idx_v.at[b, pl.ds(0, GID0)]],
                gbufs[slot].at[pl.ds(0, GID0)],
                gsem.at[slot],
            ),
            pltpu.make_async_copy(
                tL.at[idx_v.at[b, pl.ds(GID0, GID1)]],
                gbufs[slot].at[pl.ds(GID0, GID1)],
                gsem.at[slot],
            ),
        ]

    def scatter_desc(b, slot):
        return pltpu.make_async_copy(gbufs[slot], out.at[b0 + b], ssem.at[slot])

    def add_pe(slot):
        gb = gbufs[slot]

        def body(r4, carry):
            for j in range(4):
                r = r4 * 4 + j
                gb[r, pl.ds(0, 16)] = gb[r, pl.ds(0, 16)] + pe_v[r, pl.ds(0, 16)]
                gb[r, pl.ds(16, 16)] = gb[r, pl.ds(16, 16)] + pe_v[r, pl.ds(16, 16)]
            return carry

        lax.fori_loop(0, L // 4, body, None)

    for d in gather_descs(0, 0):
        d.start()
    for d in gather_descs(1, 1):
        d.start()

    def step(b, carry):
        slot = lax.rem(b, 2)
        for s in range(2):
            @pl.when(slot == s)
            def _():
                for d in gather_descs(b, s):
                    d.wait()
                @pl.when(b >= 2)
                def _():
                    scatter_desc(b - 2, s).wait()
                add_pe(s)
                scatter_desc(b, s).start()
                @pl.when(b + 2 < BW)
                def _():
                    for d in gather_descs(b + 2, s):
                        d.start()
        return carry

    lax.fori_loop(0, BW, step, None)

    for b in (BW - 2, BW - 1):
        scatter_desc(b, b % 2).wait()


def kernel(x, table):
    tL = _transpose_tc(table.T, table.T, table.T, table.T).reshape(4 * S, EMB)
    xi = x.astype(jnp.int32)
    xp = (xi % S) * NQ + xi // S
    return _gather_kernel(tL, xp, jnp.asarray(_PE))

# --- scband reference (transcript-rebuilt; emitter-appended) ---
"""Pipeline reference for scband-embeddings-61847529062419 (READ-ONLY COPY).

The authoritative reference and input builder live on the scoring server;
editing this copy changes nothing except your own understanding.
"""

import jax, jax.numpy as jnp
import numpy as np
import math

EMB_SIZE = 32
VOCAB = 1000000
MAX_LEN = 5000
B = 4096
L = 200


def _positional_encoding(max_len, d):
    pos = np.arange(max_len, dtype=np.float32)[:, None]
    div = np.exp(np.arange(0, d, 2, dtype=np.float32) * (-math.log(10000.0) / d))
    pe = np.zeros((max_len, d), dtype=np.float32)
    pe[:, 0::2] = np.sin(pos * div)
    pe[:, 1::2] = np.cos(pos * div)
    return jnp.asarray(pe)


def setup_inputs(seed: int = 0) -> dict:
    key = jax.random.key(seed)
    k1, k2 = jax.random.split(key)
    x = jax.random.randint(k1, (B, L), 0, VOCAB)
    table = jax.random.normal(k2, (VOCAB, EMB_SIZE), dtype=jnp.float32)
    return {"x": x, "table": table}


def reference(x, table):
    # embedding lookup (gather) scaled by sqrt(emb_size)
    emb = jnp.take(table, x, axis=0) * math.sqrt(EMB_SIZE)
    # sinusoidal positional encoding added (broadcast over batch)
    pe = _positional_encoding(MAX_LEN, EMB_SIZE)[:L]
    out = emb + pe[None, :, :]
    # dropout is identity in eval/deterministic mode
    return out

if __name__ == "__main__":
    import jax
    _d = setup_inputs()
    print(jax.jit(kernel)(*tuple(_d.values())))

</pallas_src>

<mosaic_0001>
#map = affine_map<(d0, d1) -> (0, 0)>
#map1 = affine_map<(d0, d1) -> (0, 0, 0)>
module attributes {stable_mosaic.version = 14 : i64} {
  func.func @_gather_kernel(%arg0: i32, %arg1: i32, %arg2: memref<1015808x32xf32, #tpu.memory_space<hbm>>, %arg3: memref<4096x200xi32, #tpu.memory_space<hbm>>, %arg4: memref<200x32xf32, #tpu.memory_space<hbm>>, %arg5: memref<4096x200x32xf32, #tpu.memory_space<hbm>>, %arg6: memref<128x200xi32, #tpu.memory_space<vmem>>, %arg7: memref<200x32xf32, #tpu.memory_space<vmem>>, %arg8: memref<200x32xf32, #tpu.memory_space<vmem>>, %arg9: memref<200x32xf32, #tpu.memory_space<vmem>>, %arg10: memref<2x!tpu.dma_semaphore, #tpu.memory_space<semaphore_mem>>, %arg11: memref<2x!tpu.dma_semaphore, #tpu.memory_space<semaphore_mem>>) attributes {dimension_semantics = [#tpu.dimension_semantics<core_parallel>, #tpu.dimension_semantics<subcore_parallel>], iteration_bounds = array<i64: 2, 16>, scalar_prefetch = 0 : i64, scratch_operands = 6 : i64, tpu.core_type = #tpu.core_type<sc_vector_subcore>, window_params = [{transform_indices = #map}, {transform_indices = #map}, {transform_indices = #map}, {transform_indices = #map1}]} {
    %mul3A = arith.constant 2 : i32
    %mul3A_0 = arith.muli %arg1, %mul3A : i32
    %add3A = arith.addi %mul3A_0, %arg0 : i32
    %mul3A_1 = arith.constant 128 : i32
    %mul3A_2 = arith.muli %add3A, %mul3A_1 : i32
    "tpu.region"() ({
      %run_scoped3A = tpu.sem_alloc : memref<!tpu.dma_semaphore, #tpu.memory_space<semaphore_mem>>
      %dma_start3A_83 = arith.constant 0 : i32
      %dma_start3A_84 = tpu.memref_slice %arg3[%mul3A_2, %dma_start3A_83] : memref<4096x200xi32, #tpu.memory_space<hbm>> -> memref<128x200xi32, #tpu.memory_space<hbm>>
      %dma_start3A_85 = arith.constant 0 : i32
      %dma_start3A_86 = tpu.memref_slice %arg3[%mul3A_2, %dma_start3A_85] : memref<4096x200xi32, #tpu.memory_space<hbm>> -> memref<128x200xi32, #tpu.memory_space<hbm>>
      tpu.enqueue_dma source(%dma_start3A_86 : memref<128x200xi32, #tpu.memory_space<hbm>>) target(%arg6 : memref<128x200xi32, #tpu.memory_space<vmem>>) target_semaphore(%run_scoped3A : memref<!tpu.dma_semaphore, #tpu.memory_space<semaphore_mem>>)
      %dma_wait3A_87 = arith.constant 0 : i32
      %dma_wait3A_88 = tpu.memref_slice %arg3[%mul3A_2, %dma_wait3A_87] : memref<4096x200xi32, #tpu.memory_space<hbm>> -> memref<128x200xi32, #tpu.memory_space<hbm>>
      %dma_wait3A_89 = arith.constant 0 : i32
      %dma_wait3A_90 = tpu.memref_slice %arg3[%mul3A_2, %dma_wait3A_89] : memref<4096x200xi32, #tpu.memory_space<hbm>> -> memref<128x200xi32, #tpu.memory_space<hbm>>
      tpu.wait_dma2 semaphore(%run_scoped3A : memref<!tpu.dma_semaphore, #tpu.memory_space<semaphore_mem>>) src(%dma_wait3A_90 : memref<128x200xi32, #tpu.memory_space<hbm>>) dst(%arg6 : memref<128x200xi32, #tpu.memory_space<vmem>>)
      tpu.yield
    }) : () -> ()
    "tpu.region"() ({
      %run_scoped3A = tpu.sem_alloc : memref<!tpu.dma_semaphore, #tpu.memory_space<semaphore_mem>>
      tpu.enqueue_dma source(%arg4 : memref<200x32xf32, #tpu.memory_space<hbm>>) target(%arg7 : memref<200x32xf32, #tpu.memory_space<vmem>>) target_semaphore(%run_scoped3A : memref<!tpu.dma_semaphore, #tpu.memory_space<semaphore_mem>>)
      tpu.wait_dma2 semaphore(%run_scoped3A : memref<!tpu.dma_semaphore, #tpu.memory_space<semaphore_mem>>) src(%arg4 : memref<200x32xf32, #tpu.memory_space<hbm>>) dst(%arg7 : memref<200x32xf32, #tpu.memory_space<vmem>>)
      tpu.yield
    }) : () -> ()
    %dma_start3A = arith.constant 0 : i32
    %dma_start3A_3 = arith.constant 0 : i32
    %dma_start3A_4 = arith.constant 0 : i32
    %dma_start3A_5 = arith.constant 0 : i32
    %dma_start3A_6 = tpu.memref_slice %arg8[%dma_start3A_4, %dma_start3A_5] : memref<200x32xf32, #tpu.memory_space<vmem>> -> memref<128x32xf32, #tpu.memory_space<vmem>>
    %dma_start3A_7 = arith.constant 0 : i32
    %dma_start3A_8 = tpu.memref_slice %arg6[%dma_start3A, %dma_start3A_7] : memref<128x200xi32, #tpu.memory_space<vmem>> -> memref<1x128xi32, #tpu.memory_space<vmem>>
    %dma_start3A_9 = tpu.memref_squeeze %dma_start3A_8 : memref<1x128xi32, #tpu.memory_space<vmem>> -> memref<128xi32, #tpu.memory_space<vmem>>
    %dma_start3A_10 = arith.constant 0 : i32
    %dma_start3A_11 = arith.constant 0 : i32
    %dma_start3A_12 = tpu.memref_slice %arg2[%dma_start3A_10, %dma_start3A_11] : memref<1015808x32xf32, #tpu.memory_space<hbm>> -> memref<1015808x32xf32, #tpu.memory_space<hbm>>
    %dma_start3A_13 = tpu.memref_slice %arg10[%dma_start3A_3] : memref<2x!tpu.dma_semaphore, #tpu.memory_space<semaphore_mem>> -> memref<1x!tpu.dma_semaphore, #tpu.memory_space<semaphore_mem>>
    %dma_start3A_14 = tpu.memref_squeeze %dma_start3A_13 : memref<1x!tpu.dma_semaphore, #tpu.memory_space<semaphore_mem>> -> memref<!tpu.dma_semaphore, #tpu.memory_space<semaphore_mem>>
    tpu.enqueue_indirect_dma source(%dma_start3A_12 : memref<1015808x32xf32, #tpu.memory_space<hbm>>) target(%dma_start3A_6 : memref<128x32xf32, #tpu.memory_space<vmem>>) offsets(%dma_start3A_9 : memref<128xi32, #tpu.memory_space<vmem>>) semaphore(%dma_start3A_14 : memref<!tpu.dma_semaphore, #tpu.memory_space<semaphore_mem>>)
    %dma_start3A_15 = arith.constant 0 : i32
    %dma_start3A_16 = arith.constant 0 : i32
    %dma_start3A_17 = arith.constant 128 : i32
    %dma_start3A_18 = arith.constant 0 : i32
    %dma_start3A_19 = tpu.memref_slice %arg8[%dma_start3A_17, %dma_start3A_18] : memref<200x32xf32, #tpu.memory_space<vmem>> -> memref<72x32xf32, #tpu.memory_space<vmem>>
    %dma_start3A_20 = arith.constant 128 : i32
    %dma_start3A_21 = tpu.memref_slice %arg6[%dma_start3A_15, %dma_start3A_20] : memref<128x200xi32, #tpu.memory_space<vmem>> -> memref<1x72xi32, #tpu.memory_space<vmem>>
    %dma_start3A_22 = tpu.memref_squeeze %dma_start3A_21 : memref<1x72xi32, #tpu.memory_space<vmem>> -> memref<72xi32, #tpu.memory_space<vmem>>
    %dma_start3A_23 = arith.constant 0 : i32
    %dma_start3A_24 = arith.constant 0 : i32
    %dma_start3A_25 = tpu.memref_slice %arg2[%dma_start3A_23, %dma_start3A_24] : memref<1015808x32xf32, #tpu.memory_space<hbm>> -> memref<1015808x32xf32, #tpu.memory_space<hbm>>
    %dma_start3A_26 = tpu.memref_slice %arg10[%dma_start3A_16] : memref<2x!tpu.dma_semaphore, #tpu.memory_space<semaphore_mem>> -> memref<1x!tpu.dma_semaphore, #tpu.memory_space<semaphore_mem>>
    %dma_start3A_27 = tpu.memref_squeeze %dma_start3A_26 : memref<1x!tpu.dma_semaphore, #tpu.memory_space<semaphore_mem>> -> memref<!tpu.dma_semaphore, #tpu.memory_space<semaphore_mem>>
    tpu.enqueue_indirect_dma source(%dma_start3A_25 : memref<1015808x32xf32, #tpu.memory_space<hbm>>) target(%dma_start3A_19 : memref<72x32xf32, #tpu.memory_space<vmem>>) offsets(%dma_start3A_22 : memref<72xi32, #tpu.memory_space<vmem>>) semaphore(%dma_start3A_27 : memref<!tpu.dma_semaphore, #tpu.memory_space<semaphore_mem>>)
    %dma_start3A_28 = arith.constant 1 : i32
    %dma_start3A_29 = arith.constant 1 : i32
    %dma_start3A_30 = arith.constant 0 : i32
    %dma_start3A_31 = arith.constant 0 : i32
    %dma_start3A_32 = tpu.memref_slice %arg9[%dma_start3A_30, %dma_start3A_31] : memref<200x32xf32, #tpu.memory_space<vmem>> -> memref<128x32xf32, #tpu.memory_space<vmem>>
    %dma_start3A_33 = arith.constant 0 : i32
    %dma_start3A_34 = tpu.memref_slice %arg6[%dma_start3A_28, %dma_start3A_33] : memref<128x200xi32, #tpu.memory_space<vmem>> -> memref<1x128xi32, #tpu.memory_space<vmem>>
    %dma_start3A_35 = tpu.memref_squeeze %dma_start3A_34 : memref<1x128xi32, #tpu.memory_space<vmem>> -> memref<128xi32, #tpu.memory_space<vmem>>
    %dma_start3A_36 = arith.constant 0 : i32
    %dma_start3A_37 = arith.constant 0 : i32
    %dma_start3A_38 = tpu.memref_slice %arg2[%dma_start3A_36, %dma_start3A_37] : memref<1015808x32xf32, #tpu.memory_space<hbm>> -> memref<1015808x32xf32, #tpu.memory_space<hbm>>
    %dma_start3A_39 = tpu.memref_slice %arg10[%dma_start3A_29] : memref<2x!tpu.dma_semaphore, #tpu.memory_space<semaphore_mem>> -> memref<1x!tpu.dma_semaphore, #tpu.memory_space<semaphore_mem>>
    %dma_start3A_40 = tpu.memref_squeeze %dma_start3A_39 : memref<1x!tpu.dma_semaphore, #tpu.memory_space<semaphore_mem>> -> memref<!tpu.dma_semaphore, #tpu.memory_space<semaphore_mem>>
    tpu.enqueue_indirect_dma source(%dma_start3A_38 : memref<1015808x32xf32, #tpu.memory_space<hbm>>) target(%dma_start3A_32 : memref<128x32xf32, #tpu.memory_space<vmem>>) offsets(%dma_start3A_35 : memref<128xi32, #tpu.memory_space<vmem>>) semaphore(%dma_start3A_40 : memref<!tpu.dma_semaphore, #tpu.memory_space<semaphore_mem>>)
    %dma_start3A_41 = arith.constant 1 : i32
    %dma_start3A_42 = arith.constant 1 : i32
    %dma_start3A_43 = arith.constant 128 : i32
    %dma_start3A_44 = arith.constant 0 : i32
    %dma_start3A_45 = tpu.memref_slice %arg9[%dma_start3A_43, %dma_start3A_44] : memref<200x32xf32, #tpu.memory_space<vmem>> -> memref<72x32xf32, #tpu.memory_space<vmem>>
    %dma_start3A_46 = arith.constant 128 : i32
    %dma_start3A_47 = tpu.memref_slice %arg6[%dma_start3A_41, %dma_start3A_46] : memref<128x200xi32, #tpu.memory_space<vmem>> -> memref<1x72xi32, #tpu.memory_space<vmem>>
    %dma_start3A_48 = tpu.memref_squeeze %dma_start3A_47 : memref<1x72xi32, #tpu.memory_space<vmem>> -> memref<72xi32, #tpu.memory_space<vmem>>
    %dma_start3A_49 = arith.constant 0 : i32
    %dma_start3A_50 = arith.constant 0 : i32
    %dma_start3A_51 = tpu.memref_slice %arg2[%dma_start3A_49, %dma_start3A_50] : memref<1015808x32xf32, #tpu.memory_space<hbm>> -> memref<1015808x32xf32, #tpu.memory_space<hbm>>
    %dma_start3A_52 = tpu.memref_slice %arg10[%dma_start3A_42] : memref<2x!tpu.dma_semaphore, #tpu.memory_space<semaphore_mem>> -> memref<1x!tpu.dma_semaphore, #tpu.memory_space<semaphore_mem>>
    %dma_start3A_53 = tpu.memref_squeeze %dma_start3A_52 : memref<1x!tpu.dma_semaphore, #tpu.memory_space<semaphore_mem>> -> memref<!tpu.dma_semaphore, #tpu.memory_space<semaphore_mem>>
    tpu.enqueue_indirect_dma source(%dma_start3A_51 : memref<1015808x32xf32, #tpu.memory_space<hbm>>) target(%dma_start3A_45 : memref<72x32xf32, #tpu.memory_space<vmem>>) offsets(%dma_start3A_48 : memref<72xi32, #tpu.memory_space<vmem>>) semaphore(%dma_start3A_53 : memref<!tpu.dma_semaphore, #tpu.memory_space<semaphore_mem>>)
    %scan3A = arith.constant 0 : i32
    %scan3A_54 = arith.constant 128 : i32
    %scan3A_55 = arith.addi %scan3A, %scan3A_54 : i32
    %scan3A_56 = arith.constant 1 : i32
    scf.for %scan3A_83 = %scan3A to %scan3A_55 step %scan3A_56  : i32 {
      %rem3A = arith.constant 2 : i32
      %rem3A_84 = arith.remsi %scan3A_83, %rem3A : i32
      %eq3A = arith.constant 0 : i32
      %eq3A_85 = arith.cmpi eq, %rem3A_84, %eq3A : i32
      %convert_element_type3A = arith.extui %eq3A_85 : i1 to i32
      %cond3A = arith.constant 0 : i32
      %cond3A_86 = arith.cmpi ne, %convert_element_type3A, %cond3A : i32
      scf.if %cond3A_86 {
        %dma_wait3A_92 = arith.constant 0 : i32
        %dma_wait3A_93 = arith.constant 0 : i32
        %dma_wait3A_94 = arith.constant 0 : i32
        %dma_wait3A_95 = tpu.memref_slice %arg8[%dma_wait3A_93, %dma_wait3A_94] : memref<200x32xf32, #tpu.memory_space<vmem>> -> memref<128x32xf32, #tpu.memory_space<vmem>>
        %dma_wait3A_96 = arith.constant 0 : i32
        %dma_wait3A_97 = tpu.memref_slice %arg6[%scan3A_83, %dma_wait3A_96] : memref<128x200xi32, #tpu.memory_space<vmem>> -> memref<1x128xi32, #tpu.memory_space<vmem>>
        %dma_wait3A_98 = tpu.memref_squeeze %dma_wait3A_97 : memref<1x128xi32, #tpu.memory_space<vmem>> -> memref<128xi32, #tpu.memory_space<vmem>>
        %dma_wait3A_99 = arith.constant 0 : i32
        %dma_wait3A_100 = arith.constant 0 : i32
        %dma_wait3A_101 = tpu.memref_slice %arg2[%dma_wait3A_99, %dma_wait3A_100] : memref<1015808x32xf32, #tpu.memory_space<hbm>> -> memref<1015808x32xf32, #tpu.memory_space<hbm>>
        %dma_wait3A_102 = tpu.memref_slice %arg10[%dma_wait3A_92] : memref<2x!tpu.dma_semaphore, #tpu.memory_space<semaphore_mem>> -> memref<1x!tpu.dma_semaphore, #tpu.memory_space<semaphore_mem>>
        %dma_wait3A_103 = tpu.memref_squeeze %dma_wait3A_102 : memref<1x!tpu.dma_semaphore, #tpu.memory_space<semaphore_mem>> -> memref<!tpu.dma_semaphore, #tpu.memory_space<semaphore_mem>>
        tpu.wait_indirect_dma semaphore(%dma_wait3A_103 : memref<!tpu.dma_semaphore, #tpu.memory_space<semaphore_mem>>) src(%dma_wait3A_101 : memref<1015808x32xf32, #tpu.memory_space<hbm>>) dst(%dma_wait3A_95 : memref<128x32xf32, #tpu.memory_space<vmem>>)
        %dma_wait3A_104 = arith.constant 0 : i32
        %dma_wait3A_105 = arith.constant 128 : i32
        %dma_wait3A_106 = arith.constant 0 : i32
        %dma_wait3A_107 = tpu.memref_slice %arg8[%dma_wait3A_105, %dma_wait3A_106] : memref<200x32xf32, #tpu.memory_space<vmem>> -> memref<72x32xf32, #tpu.memory_space<vmem>>
        %dma_wait3A_108 = arith.constant 128 : i32
        %dma_wait3A_109 = tpu.memref_slice %arg6[%scan3A_83, %dma_wait3A_108] : memref<128x200xi32, #tpu.memory_space<vmem>> -> memref<1x72xi32, #tpu.memory_space<vmem>>
        %dma_wait3A_110 = tpu.memref_squeeze %dma_wait3A_109 : memref<1x72xi32, #tpu.memory_space<vmem>> -> memref<72xi32, #tpu.memory_space<vmem>>
        %dma_wait3A_111 = arith.constant 0 : i32
        %dma_wait3A_112 = arith.constant 0 : i32
        %dma_wait3A_113 = tpu.memref_slice %arg2[%dma_wait3A_111, %dma_wait3A_112] : memref<1015808x32xf32, #tpu.memory_space<hbm>> -> memref<1015808x32xf32, #tpu.memory_space<hbm>>
        %dma_wait3A_114 = tpu.memref_slice %arg10[%dma_wait3A_104] : memref<2x!tpu.dma_semaphore, #tpu.memory_space<semaphore_mem>> -> memref<1x!tpu.dma_semaphore, #tpu.memory_space<semaphore_mem>>
        %dma_wait3A_115 = tpu.memref_squeeze %dma_wait3A_114 : memref<1x!tpu.dma_semaphore, #tpu.memory_space<semaphore_mem>> -> memref<!tpu.dma_semaphore, #tpu.memory_space<semaphore_mem>>
        tpu.wait_indirect_dma semaphore(%dma_wait3A_115 : memref<!tpu.dma_semaphore, #tpu.memory_space<semaphore_mem>>) src(%dma_wait3A_113 : memref<1015808x32xf32, #tpu.memory_space<hbm>>) dst(%dma_wait3A_107 : memref<72x32xf32, #tpu.memory_space<vmem>>)
        %ge3A = arith.constant 2 : i32
        %ge3A_116 = arith.cmpi sge, %scan3A_83, %ge3A : i32
        %convert_element_type3A_117 = arith.extui %ge3A_116 : i1 to i32
        %cond3A_118 = arith.constant 0 : i32
        %cond3A_119 = arith.cmpi ne, %convert_element_type3A_117, %cond3A_118 : i32
        scf.if %cond3A_119 {
          %sub3A = arith.constant 2 : i32
          %sub3A_143 = arith.subi %scan3A_83, %sub3A : i32
          %add3A_144 = arith.addi %mul3A_2, %sub3A_143 : i32
          %dma_wait3A_145 = arith.constant 0 : i32
          %dma_wait3A_146 = arith.constant 0 : i32
          %dma_wait3A_147 = arith.constant 0 : i32
          %dma_wait3A_148 = tpu.memref_slice %arg5[%add3A_144, %dma_wait3A_146, %dma_wait3A_147] : memref<4096x200x32xf32, #tpu.memory_space<hbm>> -> memref<1x200x32xf32, #tpu.memory_space<hbm>>
          %dma_wait3A_149 = tpu.memref_squeeze %dma_wait3A_148 : memref<1x200x32xf32, #tpu.memory_space<hbm>> -> memref<200x32xf32, #tpu.memory_space<hbm>>
          %dma_wait3A_150 = tpu.memref_slice %arg11[%dma_wait3A_145] : memref<2x!tpu.dma_semaphore, #tpu.memory_space<semaphore_mem>> -> memref<1x!tpu.dma_semaphore, #tpu.memory_space<semaphore_mem>>
          %dma_wait3A_151 = tpu.memref_squeeze %dma_wait3A_150 : memref<1x!tpu.dma_semaphore, #tpu.memory_space<semaphore_mem>> -> memref<!tpu.dma_semaphore, #tpu.memory_space<semaphore_mem>>
          %dma_wait3A_152 = arith.constant 0 : i32
          %dma_wait3A_153 = arith.constant 0 : i32
          %dma_wait3A_154 = tpu.memref_slice %arg5[%add3A_144, %dma_wait3A_152, %dma_wait3A_153] : memref<4096x200x32xf32, #tpu.memory_space<hbm>> -> memref<1x200x32xf32, #tpu.memory_space<hbm>>
          %dma_wait3A_155 = tpu.memref_squeeze %dma_wait3A_154 : memref<1x200x32xf32, #tpu.memory_space<hbm>> -> memref<200x32xf32, #tpu.memory_space<hbm>>
          tpu.wait_dma2 semaphore(%dma_wait3A_151 : memref<!tpu.dma_semaphore, #tpu.memory_space<semaphore_mem>>) src(%arg8 : memref<200x32xf32, #tpu.memory_space<vmem>>) dst(%dma_wait3A_155 : memref<200x32xf32, #tpu.memory_space<hbm>>)
        } else {
        }
        %scan3A_120 = arith.constant 0 : i32
        %scan3A_121 = arith.constant 50 : i32
        %scan3A_122 = arith.addi %scan3A_120, %scan3A_121 : i32
        %scan3A_123 = arith.constant 1 : i32
        scf.for %scan3A_143 = %scan3A_120 to %scan3A_122 step %scan3A_123  : i32 {
          %mul3A_144 = arith.constant 4 : i32
          %mul3A_145 = arith.muli %scan3A_143, %mul3A_144 : i32
          %add3A_146 = arith.constant 0 : i32
          %add3A_147 = arith.addi %mul3A_145, %add3A_146 : i32
          %get3A = arith.index_cast %add3A_147 : i32 to index
          %get3A_148 = arith.constant 0 : index
          %get3A_149 = tpu.vector_load %arg8[%get3A, %get3A_148] {strides = array<i32>} : memref<200x32xf32, #tpu.memory_space<vmem>>, vector<1x16xf32>,
          %get3A_150 = vector.shape_cast %get3A_149 : vector<1x16xf32> to vector<16xf32>
          %get3A_151 = arith.index_cast %add3A_147 : i32 to index
          %get3A_152 = arith.constant 0 : index
          %get3A_153 = tpu.vector_load %arg7[%get3A_151, %get3A_152] {strides = array<i32>} : memref<200x32xf32, #tpu.memory_space<vmem>>, vector<1x16xf32>,
          %get3A_154 = vector.shape_cast %get3A_153 : vector<1x16xf32> to vector<16xf32>
          %add3A_155 = arith.addf %get3A_150, %get3A_154 : vector<16xf32>
          %swap3A = arith.index_cast %add3A_147 : i32 to index
          %swap3A_156 = arith.constant 0 : index
          %swap3A_157 = tpu.vector_load %arg8[%swap3A, %swap3A_156] {strides = array<i32>} : memref<200x32xf32, #tpu.memory_space<vmem>>, vector<1x16xf32>,
          %swap3A_158 = vector.shape_cast %swap3A_157 : vector<1x16xf32> to vector<16xf32>
          %swap3A_159 = vector.shape_cast %add3A_155 : vector<16xf32> to vector<1x16xf32>
          tpu.vector_store %arg8[%swap3A, %swap3A_156], %swap3A_159 {strides = array<i32>} : memref<200x32xf32, #tpu.memory_space<vmem>>, vector<1x16xf32>,
          %get3A_160 = arith.index_cast %add3A_147 : i32 to index
          %get3A_161 = arith.constant 16 : index
          %get3A_162 = tpu.vector_load %arg8[%get3A_160, %get3A_161] {strides = array<i32>} : memref<200x32xf32, #tpu.memory_space<vmem>>, vector<1x16xf32>,
          %get3A_163 = vector.shape_cast %get3A_162 : vector<1x16xf32> to vector<16xf32>
          %get3A_164 = arith.index_cast %add3A_147 : i32 to index
          %get3A_165 = arith.constant 16 : index
          %get3A_166 = tpu.vector_load %arg7[%get3A_164, %get3A_165] {strides = array<i32>} : memref<200x32xf32, #tpu.memory_space<vmem>>, vector<1x16xf32>,
          %get3A_167 = vector.shape_cast %get3A_166 : vector<1x16xf32> to vector<16xf32>
          %add3A_168 = arith.addf %get3A_163, %get3A_167 : vector<16xf32>
          %swap3A_169 = arith.index_cast %add3A_147 : i32 to index
          %swap3A_170 = arith.constant 16 : index
          %swap3A_171 = tpu.vector_load %arg8[%swap3A_169, %swap3A_170] {strides = array<i32>} : memref<200x32xf32, #tpu.memory_space<vmem>>, vector<1x16xf32>,
          %swap3A_172 = vector.shape_cast %swap3A_171 : vector<1x16xf32> to vector<16xf32>
          %swap3A_173 = vector.shape_cast %add3A_168 : vector<16xf32> to vector<1x16xf32>
          tpu.vector_store %arg8[%swap3A_169, %swap3A_170], %swap3A_173 {strides = array<i32>} : memref<200x32xf32, #tpu.memory_space<vmem>>, vector<1x16xf32>,
          %mul3A_174 = arith.constant 4 : i32
          %mul3A_175 = arith.muli %scan3A_143, %mul3A_174 : i32
          %add3A_176 = arith.constant 1 : i32
          %add3A_177 = arith.addi %mul3A_175, %add3A_176 : i32
          %get3A_178 = arith.index_cast %add3A_177 : i32 to index
          %get3A_179 = arith.constant 0 : index
          %get3A_180 = tpu.vector_load %arg8[%get3A_178, %get3A_179] {strides = array<i32>} : memref<200x32xf32, #tpu.memory_space<vmem>>, vector<1x16xf32>,
          %get3A_181 = vector.shape_cast %get3A_180 : vector<1x16xf32> to vector<16xf32>
          %get3A_182 = arith.index_cast %add3A_177 : i32 to index
          %get3A_183 = arith.constant 0 : index
          %get3A_184 = tpu.vector_load %arg7[%get3A_182, %get3A_183] {strides = array<i32>} : memref<200x32xf32, #tpu.memory_space<vmem>>, vector<1x16xf32>,
          %get3A_185 = vector.shape_cast %get3A_184 : vector<1x16xf32> to vector<16xf32>
          %add3A_186 = arith.addf %get3A_181, %get3A_185 : vector<16xf32>
          %swap3A_187 = arith.index_cast %add3A_177 : i32 to index
          %swap3A_188 = arith.constant 0 : index
          %swap3A_189 = tpu.vector_load %arg8[%swap3A_187, %swap3A_188] {strides = array<i32>} : memref<200x32xf32, #tpu.memory_space<vmem>>, vector<1x16xf32>,
          %swap3A_190 = vector.shape_cast %swap3A_189 : vector<1x16xf32> to vector<16xf32>
          %swap3A_191 = vector.shape_cast %add3A_186 : vector<16xf32> to vector<1x16xf32>
          tpu.vector_store %arg8[%swap3A_187, %swap3A_188], %swap3A_191 {strides = array<i32>} : memref<200x32xf32, #tpu.memory_space<vmem>>, vector<1x16xf32>,
          %get3A_192 = arith.index_cast %add3A_177 : i32 to index
          %get3A_193 = arith.constant 16 : index
          %get3A_194 = tpu.vector_load %arg8[%get3A_192, %get3A_193] {strides = array<i32>} : memref<200x32xf32, #tpu.memory_space<vmem>>, vector<1x16xf32>,
          %get3A_195 = vector.shape_cast %get3A_194 : vector<1x16xf32> to vector<16xf32>
          %get3A_196 = arith.index_cast %add3A_177 : i32 to index
          %get3A_197 = arith.constant 16 : index
          %get3A_198 = tpu.vector_load %arg7[%get3A_196, %get3A_197] {strides = array<i32>} : memref<200x32xf32, #tpu.memory_space<vmem>>, vector<1x16xf32>,
          %get3A_199 = vector.shape_cast %get3A_198 : vector<1x16xf32> to vector<16xf32>
          %add3A_200 = arith.addf %get3A_195, %get3A_199 : vector<16xf32>
          %swap3A_201 = arith.index_cast %add3A_177 : i32 to index
          %swap3A_202 = arith.constant 16 : index
          %swap3A_203 = tpu.vector_load %arg8[%swap3A_201, %swap3A_202] {strides = array<i32>} : memref<200x32xf32, #tpu.memory_space<vmem>>, vector<1x16xf32>,
          %swap3A_204 = vector.shape_cast %swap3A_203 : vector<1x16xf32> to vector<16xf32>
          %swap3A_205 = vector.shape_cast %add3A_200 : vector<16xf32> to vector<1x16xf32>
          tpu.vector_store %arg8[%swap3A_201, %swap3A_202], %swap3A_205 {strides = array<i32>} : memref<200x32xf32, #tpu.memory_space<vmem>>, vector<1x16xf32>,
          %mul3A_206 = arith.constant 4 : i32
          %mul3A_207 = arith.muli %scan3A_143, %mul3A_206 : i32
          %add3A_208 = arith.constant 2 : i32
          %add3A_209 = arith.addi %mul3A_207, %add3A_208 : i32
          %get3A_210 = arith.index_cast %add3A_209 : i32 to index
          %get3A_211 = arith.constant 0 : index
          %get3A_212 = tpu.vector_load %arg8[%get3A_210, %get3A_211] {strides = array<i32>} : memref<200x32xf32, #tpu.memory_space<vmem>>, vector<1x16xf32>,
          %get3A_213 = vector.shape_cast %get3A_212 : vector<1x16xf32> to vector<16xf32>
          %get3A_214 = arith.index_cast %add3A_209 : i32 to index
          %get3A_215 = arith.constant 0 : index
          %get3A_216 = tpu.vector_load %arg7[%get3A_214, %get3A_215] {strides = array<i32>} : memref<200x32xf32, #tpu.memory_space<vmem>>, vector<1x16xf32>,
          %get3A_217 = vector.shape_cast %get3A_216 : vector<1x16xf32> to vector<16xf32>
          %add3A_218 = arith.addf %get3A_213, %get3A_217 : vector<16xf32>
          %swap3A_219 = arith.index_cast %add3A_209 : i32 to index
          %swap3A_220 = arith.constant 0 : index
          %swap3A_221 = tpu.vector_load %arg8[%swap3A_219, %swap3A_220] {strides = array<i32>} : memref<200x32xf32, #tpu.memory_space<vmem>>, vector<1x16xf32>,
          %swap3A_222 = vector.shape_cast %swap3A_221 : vector<1x16xf32> to vector<16xf32>
          %swap3A_223 = vector.shape_cast %add3A_218 : vector<16xf32> to vector<1x16xf32>
          tpu.vector_store %arg8[%swap3A_219, %swap3A_220], %swap3A_223 {strides = array<i32>} : memref<200x32xf32, #tpu.memory_space<vmem>>, vector<1x16xf32>,
          %get3A_224 = arith.index_cast %add3A_209 : i32 to index
          %get3A_225 = arith.constant 16 : index
          %get3A_226 = tpu.vector_load %arg8[%get3A_224, %get3A_225] {strides = array<i32>} : memref<200x32xf32, #tpu.memory_space<vmem>>, vector<1x16xf32>,
          %get3A_227 = vector.shape_cast %get3A_226 : vector<1x16xf32> to vector<16xf32>
          %get3A_228 = arith.index_cast %add3A_209 : i32 to index
          %get3A_229 = arith.constant 16 : index
          %get3A_230 = tpu.vector_load %arg7[%get3A_228, %get3A_229] {strides = array<i32>} : memref<200x32xf32, #tpu.memory_space<vmem>>, vector<1x16xf32>,
          %get3A_231 = vector.shape_cast %get3A_230 : vector<1x16xf32> to vector<16xf32>
          %add3A_232 = arith.addf %get3A_227, %get3A_231 : vector<16xf32>
          %swap3A_233 = arith.index_cast %add3A_209 : i32 to index
          %swap3A_234 = arith.constant 16 : index
          %swap3A_235 = tpu.vector_load %arg8[%swap3A_233, %swap3A_234] {strides = array<i32>} : memref<200x32xf32, #tpu.memory_space<vmem>>, vector<1x16xf32>,
          %swap3A_236 = vector.shape_cast %swap3A_235 : vector<1x16xf32> to vector<16xf32>
          %swap3A_237 = vector.shape_cast %add3A_232 : vector<16xf32> to vector<1x16xf32>
          tpu.vector_store %arg8[%swap3A_233, %swap3A_234], %swap3A_237 {strides = array<i32>} : memref<200x32xf32, #tpu.memory_space<vmem>>, vector<1x16xf32>,
          %mul3A_238 = arith.constant 4 : i32
          %mul3A_239 = arith.muli %scan3A_143, %mul3A_238 : i32
          %add3A_240 = arith.constant 3 : i32
          %add3A_241 = arith.addi %mul3A_239, %add3A_240 : i32
          %get3A_242 = arith.index_cast %add3A_241 : i32 to index
          %get3A_243 = arith.constant 0 : index
          %get3A_244 = tpu.vector_load %arg8[%get3A_242, %get3A_243] {strides = array<i32>} : memref<200x32xf32, #tpu.memory_space<vmem>>, vector<1x16xf32>,
          %get3A_245 = vector.shape_cast %get3A_244 : vector<1x16xf32> to vector<16xf32>
          %get3A_246 = arith.index_cast %add3A_241 : i32 to index
          %get3A_247 = arith.constant 0 : index
          %get3A_248 = tpu.vector_load %arg7[%get3A_246, %get3A_247] {strides = array<i32>} : memref<200x32xf32, #tpu.memory_space<vmem>>, vector<1x16xf32>,
          %get3A_249 = vector.shape_cast %get3A_248 : vector<1x16xf32> to vector<16xf32>
          %add3A_250 = arith.addf %get3A_245, %get3A_249 : vector<16xf32>
          %swap3A_251 = arith.index_cast %add3A_241 : i32 to index
          %swap3A_252 = arith.constant 0 : index
          %swap3A_253 = tpu.vector_load %arg8[%swap3A_251, %swap3A_252] {strides = array<i32>} : memref<200x32xf32, #tpu.memory_space<vmem>>, vector<1x16xf32>,
          %swap3A_254 = vector.shape_cast %swap3A_253 : vector<1x16xf32> to vector<16xf32>
          %swap3A_255 = vector.shape_cast %add3A_250 : vector<16xf32> to vector<1x16xf32>
          tpu.vector_store %arg8[%swap3A_251, %swap3A_252], %swap3A_255 {strides = array<i32>} : memref<200x32xf32, #tpu.memory_space<vmem>>, vector<1x16xf32>,
          %get3A_256 = arith.index_cast %add3A_241 : i32 to index
          %get3A_257 = arith.constant 16 : index
          %get3A_258 = tpu.vector_load %arg8[%get3A_256, %get3A_257] {strides = array<i32>} : memref<200x32xf32, #tpu.memory_space<vmem>>, vector<1x16xf32>,
          %get3A_259 = vector.shape_cast %get3A_258 : vector<1x16xf32> to vector<16xf32>
          %get3A_260 = arith.index_cast %add3A_241 : i32 to index
          %get3A_261 = arith.constant 16 : index
          %get3A_262 = tpu.vector_load %arg7[%get3A_260, %get3A_261] {strides = array<i32>} : memref<200x32xf32, #tpu.memory_space<vmem>>, vector<1x16xf32>,
          %get3A_263 = vector.shape_cast %get3A_262 : vector<1x16xf32> to vector<16xf32>
          %add3A_264 = arith.addf %get3A_259, %get3A_263 : vector<16xf32>
          %swap3A_265 = arith.index_cast %add3A_241 : i32 to index
          %swap3A_266 = arith.constant 16 : index
          %swap3A_267 = tpu.vector_load %arg8[%swap3A_265, %swap3A_266] {strides = array<i32>} : memref<200x32xf32, #tpu.memory_space<vmem>>, vector<1x16xf32>,
          %swap3A_268 = vector.shape_cast %swap3A_267 : vector<1x16xf32> to vector<16xf32>
          %swap3A_269 = vector.shape_cast %add3A_264 : vector<16xf32> to vector<1x16xf32>
          tpu.vector_store %arg8[%swap3A_265, %swap3A_266], %swap3A_269 {strides = array<i32>} : memref<200x32xf32, #tpu.memory_space<vmem>>, vector<1x16xf32>,
        }
        %scan3A_124 = arith.constant 50 : i32
        %add3A_125 = arith.addi %mul3A_2, %scan3A_83 : i32
        %dma_start3A_126 = arith.constant 0 : i32
        %dma_start3A_127 = arith.constant 0 : i32
        %dma_start3A_128 = arith.constant 0 : i32
        %dma_start3A_129 = tpu.memref_slice %arg5[%add3A_125, %dma_start3A_127, %dma_start3A_128] : memref<4096x200x32xf32, #tpu.memory_space<hbm>> -> memref<1x200x32xf32, #tpu.memory_space<hbm>>
        %dma_start3A_130 = tpu.memref_squeeze %dma_start3A_129 : memref<1x200x32xf32, #tpu.memory_space<hbm>> -> memref<200x32xf32, #tpu.memory_space<hbm>>
        %dma_start3A_131 = tpu.memref_slice %arg11[%dma_start3A_126] : memref<2x!tpu.dma_semaphore, #tpu.memory_space<semaphore_mem>> -> memref<1x!tpu.dma_semaphore, #tpu.memory_space<semaphore_mem>>
        %dma_start3A_132 = tpu.memref_squeeze %dma_start3A_131 : memref<1x!tpu.dma_semaphore, #tpu.memory_space<semaphore_mem>> -> memref<!tpu.dma_semaphore, #tpu.memory_space<semaphore_mem>>
        %dma_start3A_133 = arith.constant 0 : i32
        %dma_start3A_134 = arith.constant 0 : i32
        %dma_start3A_135 = tpu.memref_slice %arg5[%add3A_125, %dma_start3A_133, %dma_start3A_134] : memref<4096x200x32xf32, #tpu.memory_space<hbm>> -> memref<1x200x32xf32, #tpu.memory_space<hbm>>
        %dma_start3A_136 = tpu.memref_squeeze %dma_start3A_135 : memref<1x200x32xf32, #tpu.memory_space<hbm>> -> memref<200x32xf32, #tpu.memory_space<hbm>>
        tpu.enqueue_dma source(%arg8 : memref<200x32xf32, #tpu.memory_space<vmem>>) target(%dma_start3A_136 : memref<200x32xf32, #tpu.memory_space<hbm>>) target_semaphore(%dma_start3A_132 : memref<!tpu.dma_semaphore, #tpu.memory_space<semaphore_mem>>)
        %add3A_137 = arith.constant 2 : i32
        %add3A_138 = arith.addi %scan3A_83, %add3A_137 : i32
        %lt3A = arith.constant 128 : i32
        %lt3A_139 = arith.cmpi slt, %add3A_138, %lt3A : i32
        %convert_element_type3A_140 = arith.extui %lt3A_139 : i1 to i32
        %cond3A_141 = arith.constant 0 : i32
        %cond3A_142 = arith.cmpi ne, %convert_element_type3A_140, %cond3A_141 : i32
        scf.if %cond3A_142 {
          %add3A_143 = arith.constant 2 : i32
          %add3A_144 = arith.addi %scan3A_83, %add3A_143 : i32
          %dma_start3A_145 = arith.constant 0 : i32
          %dma_start3A_146 = arith.constant 0 : i32
          %dma_start3A_147 = arith.constant 0 : i32
          %dma_start3A_148 = tpu.memref_slice %arg8[%dma_start3A_146, %dma_start3A_147] : memref<200x32xf32, #tpu.memory_space<vmem>> -> memref<128x32xf32, #tpu.memory_space<vmem>>
          %dma_start3A_149 = arith.constant 0 : i32
          %dma_start3A_150 = tpu.memref_slice %arg6[%add3A_144, %dma_start3A_149] : memref<128x200xi32, #tpu.memory_space<vmem>> -> memref<1x128xi32, #tpu.memory_space<vmem>>
          %dma_start3A_151 = tpu.memref_squeeze %dma_start3A_150 : memref<1x128xi32, #tpu.memory_space<vmem>> -> memref<128xi32, #tpu.memory_space<vmem>>
          %dma_start3A_152 = arith.constant 0 : i32
          %dma_start3A_153 = arith.constant 0 : i32
          %dma_start3A_154 = tpu.memref_slice %arg2[%dma_start3A_152, %dma_start3A_153] : memref<1015808x32xf32, #tpu.memory_space<hbm>> -> memref<1015808x32xf32, #tpu.memory_space<hbm>>
          %dma_start3A_155 = tpu.memref_slice %arg10[%dma_start3A_145] : memref<2x!tpu.dma_semaphore, #tpu.memory_space<semaphore_mem>> -> memref<1x!tpu.dma_semaphore, #tpu.memory_space<semaphore_mem>>
          %dma_start3A_156 = tpu.memref_squeeze %dma_start3A_155 : memref<1x!tpu.dma_semaphore, #tpu.memory_space<semaphore_mem>> -> memref<!tpu.dma_semaphore, #tpu.memory_space<semaphore_mem>>
          tpu.enqueue_indirect_dma source(%dma_start3A_154 : memref<1015808x32xf32, #tpu.memory_space<hbm>>) target(%dma_start3A_148 : memref<128x32xf32, #tpu.memory_space<vmem>>) offsets(%dma_start3A_151 : memref<128xi32, #tpu.memory_space<vmem>>) semaphore(%dma_start3A_156 : memref<!tpu.dma_semaphore, #tpu.memory_space<semaphore_mem>>)
          %dma_start3A_157 = arith.constant 0 : i32
          %dma_start3A_158 = arith.constant 128 : i32
          %dma_start3A_159 = arith.constant 0 : i32
          %dma_start3A_160 = tpu.memref_slice %arg8[%dma_start3A_158, %dma_start3A_159] : memref<200x32xf32, #tpu.memory_space<vmem>> -> memref<72x32xf32, #tpu.memory_space<vmem>>
          %dma_start3A_161 = arith.constant 128 : i32
          %dma_start3A_162 = tpu.memref_slice %arg6[%add3A_144, %dma_start3A_161] : memref<128x200xi32, #tpu.memory_space<vmem>> -> memref<1x72xi32, #tpu.memory_space<vmem>>
          %dma_start3A_163 = tpu.memref_squeeze %dma_start3A_162 : memref<1x72xi32, #tpu.memory_space<vmem>> -> memref<72xi32, #tpu.memory_space<vmem>>
          %dma_start3A_164 = arith.constant 0 : i32
          %dma_start3A_165 = arith.constant 0 : i32
          %dma_start3A_166 = tpu.memref_slice %arg2[%dma_start3A_164, %dma_start3A_165] : memref<1015808x32xf32, #tpu.memory_space<hbm>> -> memref<1015808x32xf32, #tpu.memory_space<hbm>>
          %dma_start3A_167 = tpu.memref_slice %arg10[%dma_start3A_157] : memref<2x!tpu.dma_semaphore, #tpu.memory_space<semaphore_mem>> -> memref<1x!tpu.dma_semaphore, #tpu.memory_space<semaphore_mem>>
          %dma_start3A_168 = tpu.memref_squeeze %dma_start3A_167 : memref<1x!tpu.dma_semaphore, #tpu.memory_space<semaphore_mem>> -> memref<!tpu.dma_semaphore, #tpu.memory_space<semaphore_mem>>
          tpu.enqueue_indirect_dma source(%dma_start3A_166 : memref<1015808x32xf32, #tpu.memory_space<hbm>>) target(%dma_start3A_160 : memref<72x32xf32, #tpu.memory_space<vmem>>) offsets(%dma_start3A_163 : memref<72xi32, #tpu.memory_space<vmem>>) semaphore(%dma_start3A_168 : memref<!tpu.dma_semaphore, #tpu.memory_space<semaphore_mem>>)
        } else {
        }
      } else {
      }
      %eq3A_87 = arith.constant 1 : i32
      %eq3A_88 = arith.cmpi eq, %rem3A_84, %eq3A_87 : i32
      %convert_element_type3A_89 = arith.extui %eq3A_88 : i1 to i32
      %cond3A_90 = arith.constant 0 : i32
      %cond3A_91 = arith.cmpi ne, %convert_element_type3A_89, %cond3A_90 : i32
      scf.if %cond3A_91 {
        %dma_wait3A_92 = arith.constant 1 : i32
        %dma_wait3A_93 = arith.constant 0 : i32
        %dma_wait3A_94 = arith.constant 0 : i32
        %dma_wait3A_95 = tpu.memref_slice %arg9[%dma_wait3A_93, %dma_wait3A_94] : memref<200x32xf32, #tpu.memory_space<vmem>> -> memref<128x32xf32, #tpu.memory_space<vmem>>
        %dma_wait3A_96 = arith.constant 0 : i32
        %dma_wait3A_97 = tpu.memref_slice %arg6[%scan3A_83, %dma_wait3A_96] : memref<128x200xi32, #tpu.memory_space<vmem>> -> memref<1x128xi32, #tpu.memory_space<vmem>>
        %dma_wait3A_98 = tpu.memref_squeeze %dma_wait3A_97 : memref<1x128xi32, #tpu.memory_space<vmem>> -> memref<128xi32, #tpu.memory_space<vmem>>
        %dma_wait3A_99 = arith.constant 0 : i32
        %dma_wait3A_100 = arith.constant 0 : i32
        %dma_wait3A_101 = tpu.memref_slice %arg2[%dma_wait3A_99, %dma_wait3A_100] : memref<1015808x32xf32, #tpu.memory_space<hbm>> -> memref<1015808x32xf32, #tpu.memory_space<hbm>>
        %dma_wait3A_102 = tpu.memref_slice %arg10[%dma_wait3A_92] : memref<2x!tpu.dma_semaphore, #tpu.memory_space<semaphore_mem>> -> memref<1x!tpu.dma_semaphore, #tpu.memory_space<semaphore_mem>>
        %dma_wait3A_103 = tpu.memref_squeeze %dma_wait3A_102 : memref<1x!tpu.dma_semaphore, #tpu.memory_space<semaphore_mem>> -> memref<!tpu.dma_semaphore, #tpu.memory_space<semaphore_mem>>
        tpu.wait_indirect_dma semaphore(%dma_wait3A_103 : memref<!tpu.dma_semaphore, #tpu.memory_space<semaphore_mem>>) src(%dma_wait3A_101 : memref<1015808x32xf32, #tpu.memory_space<hbm>>) dst(%dma_wait3A_95 : memref<128x32xf32, #tpu.memory_space<vmem>>)
        %dma_wait3A_104 = arith.constant 1 : i32
        %dma_wait3A_105 = arith.constant 128 : i32
        %dma_wait3A_106 = arith.constant 0 : i32
        %dma_wait3A_107 = tpu.memref_slice %arg9[%dma_wait3A_105, %dma_wait3A_106] : memref<200x32xf32, #tpu.memory_space<vmem>> -> memref<72x32xf32, #tpu.memory_space<vmem>>
        %dma_wait3A_108 = arith.constant 128 : i32
        %dma_wait3A_109 = tpu.memref_slice %arg6[%scan3A_83, %dma_wait3A_108] : memref<128x200xi32, #tpu.memory_space<vmem>> -> memref<1x72xi32, #tpu.memory_space<vmem>>
        %dma_wait3A_110 = tpu.memref_squeeze %dma_wait3A_109 : memref<1x72xi32, #tpu.memory_space<vmem>> -> memref<72xi32, #tpu.memory_space<vmem>>
        %dma_wait3A_111 = arith.constant 0 : i32
        %dma_wait3A_112 = arith.constant 0 : i32
        %dma_wait3A_113 = tpu.memref_slice %arg2[%dma_wait3A_111, %dma_wait3A_112] : memref<1015808x32xf32, #tpu.memory_space<hbm>> -> memref<1015808x32xf32, #tpu.memory_space<hbm>>
        %dma_wait3A_114 = tpu.memref_slice %arg10[%dma_wait3A_104] : memref<2x!tpu.dma_semaphore, #tpu.memory_space<semaphore_mem>> -> memref<1x!tpu.dma_semaphore, #tpu.memory_space<semaphore_mem>>
        %dma_wait3A_115 = tpu.memref_squeeze %dma_wait3A_114 : memref<1x!tpu.dma_semaphore, #tpu.memory_space<semaphore_mem>> -> memref<!tpu.dma_semaphore, #tpu.memory_space<semaphore_mem>>
        tpu.wait_indirect_dma semaphore(%dma_wait3A_115 : memref<!tpu.dma_semaphore, #tpu.memory_space<semaphore_mem>>) src(%dma_wait3A_113 : memref<1015808x32xf32, #tpu.memory_space<hbm>>) dst(%dma_wait3A_107 : memref<72x32xf32, #tpu.memory_space<vmem>>)
        %ge3A = arith.constant 2 : i32
        %ge3A_116 = arith.cmpi sge, %scan3A_83, %ge3A : i32
        %convert_element_type3A_117 = arith.extui %ge3A_116 : i1 to i32
        %cond3A_118 = arith.constant 0 : i32
        %cond3A_119 = arith.cmpi ne, %convert_element_type3A_117, %cond3A_118 : i32
        scf.if %cond3A_119 {
          %sub3A = arith.constant 2 : i32
          %sub3A_143 = arith.subi %scan3A_83, %sub3A : i32
          %add3A_144 = arith.addi %mul3A_2, %sub3A_143 : i32
          %dma_wait3A_145 = arith.constant 1 : i32
          %dma_wait3A_146 = arith.constant 0 : i32
          %dma_wait3A_147 = arith.constant 0 : i32
          %dma_wait3A_148 = tpu.memref_slice %arg5[%add3A_144, %dma_wait3A_146, %dma_wait3A_147] : memref<4096x200x32xf32, #tpu.memory_space<hbm>> -> memref<1x200x32xf32, #tpu.memory_space<hbm>>
          %dma_wait3A_149 = tpu.memref_squeeze %dma_wait3A_148 : memref<1x200x32xf32, #tpu.memory_space<hbm>> -> memref<200x32xf32, #tpu.memory_space<hbm>>
          %dma_wait3A_150 = tpu.memref_slice %arg11[%dma_wait3A_145] : memref<2x!tpu.dma_semaphore, #tpu.memory_space<semaphore_mem>> -> memref<1x!tpu.dma_semaphore, #tpu.memory_space<semaphore_mem>>
          %dma_wait3A_151 = tpu.memref_squeeze %dma_wait3A_150 : memref<1x!tpu.dma_semaphore, #tpu.memory_space<semaphore_mem>> -> memref<!tpu.dma_semaphore, #tpu.memory_space<semaphore_mem>>
          %dma_wait3A_152 = arith.constant 0 : i32
          %dma_wait3A_153 = arith.constant 0 : i32
          %dma_wait3A_154 = tpu.memref_slice %arg5[%add3A_144, %dma_wait3A_152, %dma_wait3A_153] : memref<4096x200x32xf32, #tpu.memory_space<hbm>> -> memref<1x200x32xf32, #tpu.memory_space<hbm>>
          %dma_wait3A_155 = tpu.memref_squeeze %dma_wait3A_154 : memref<1x200x32xf32, #tpu.memory_space<hbm>> -> memref<200x32xf32, #tpu.memory_space<hbm>>
          tpu.wait_dma2 semaphore(%dma_wait3A_151 : memref<!tpu.dma_semaphore, #tpu.memory_space<semaphore_mem>>) src(%arg9 : memref<200x32xf32, #tpu.memory_space<vmem>>) dst(%dma_wait3A_155 : memref<200x32xf32, #tpu.memory_space<hbm>>)
        } else {
        }
        %scan3A_120 = arith.constant 0 : i32
        %scan3A_121 = arith.constant 50 : i32
        %scan3A_122 = arith.addi %scan3A_120, %scan3A_121 : i32
        %scan3A_123 = arith.constant 1 : i32
        scf.for %scan3A_143 = %scan3A_120 to %scan3A_122 step %scan3A_123  : i32 {
          %mul3A_144 = arith.constant 4 : i32
          %mul3A_145 = arith.muli %scan3A_143, %mul3A_144 : i32
          %add3A_146 = arith.constant 0 : i32
          %add3A_147 = arith.addi %mul3A_145, %add3A_146 : i32
          %get3A = arith.index_cast %add3A_147 : i32 to index
          %get3A_148 = arith.constant 0 : index
          %get3A_149 = tpu.vector_load %arg9[%get3A, %get3A_148] {strides = array<i32>} : memref<200x32xf32, #tpu.memory_space<vmem>>, vector<1x16xf32>,
          %get3A_150 = vector.shape_cast %get3A_149 : vector<1x16xf32> to vector<16xf32>
          %get3A_151 = arith.index_cast %add3A_147 : i32 to index
          %get3A_152 = arith.constant 0 : index
          %get3A_153 = tpu.vector_load %arg7[%get3A_151, %get3A_152] {strides = array<i32>} : memref<200x32xf32, #tpu.memory_space<vmem>>, vector<1x16xf32>,
          %get3A_154 = vector.shape_cast %get3A_153 : vector<1x16xf32> to vector<16xf32>
          %add3A_155 = arith.addf %get3A_150, %get3A_154 : vector<16xf32>
          %swap3A = arith.index_cast %add3A_147 : i32 to index
          %swap3A_156 = arith.constant 0 : index
          %swap3A_157 = tpu.vector_load %arg9[%swap3A, %swap3A_156] {strides = array<i32>} : memref<200x32xf32, #tpu.memory_space<vmem>>, vector<1x16xf32>,
          %swap3A_158 = vector.shape_cast %swap3A_157 : vector<1x16xf32> to vector<16xf32>
          %swap3A_159 = vector.shape_cast %add3A_155 : vector<16xf32> to vector<1x16xf32>
          tpu.vector_store %arg9[%swap3A, %swap3A_156], %swap3A_159 {strides = array<i32>} : memref<200x32xf32, #tpu.memory_space<vmem>>, vector<1x16xf32>,
          %get3A_160 = arith.index_cast %add3A_147 : i32 to index
          %get3A_161 = arith.constant 16 : index
          %get3A_162 = tpu.vector_load %arg9[%get3A_160, %get3A_161] {strides = array<i32>} : memref<200x32xf32, #tpu.memory_space<vmem>>, vector<1x16xf32>,
          %get3A_163 = vector.shape_cast %get3A_162 : vector<1x16xf32> to vector<16xf32>
          %get3A_164 = arith.index_cast %add3A_147 : i32 to index
          %get3A_165 = arith.constant 16 : index
          %get3A_166 = tpu.vector_load %arg7[%get3A_164, %get3A_165] {strides = array<i32>} : memref<200x32xf32, #tpu.memory_space<vmem>>, vector<1x16xf32>,
          %get3A_167 = vector.shape_cast %get3A_166 : vector<1x16xf32> to vector<16xf32>
          %add3A_168 = arith.addf %get3A_163, %get3A_167 : vector<16xf32>
          %swap3A_169 = arith.index_cast %add3A_147 : i32 to index
          %swap3A_170 = arith.constant 16 : index
          %swap3A_171 = tpu.vector_load %arg9[%swap3A_169, %swap3A_170] {strides = array<i32>} : memref<200x32xf32, #tpu.memory_space<vmem>>, vector<1x16xf32>,
          %swap3A_172 = vector.shape_cast %swap3A_171 : vector<1x16xf32> to vector<16xf32>
          %swap3A_173 = vector.shape_cast %add3A_168 : vector<16xf32> to vector<1x16xf32>
          tpu.vector_store %arg9[%swap3A_169, %swap3A_170], %swap3A_173 {strides = array<i32>} : memref<200x32xf32, #tpu.memory_space<vmem>>, vector<1x16xf32>,
          %mul3A_174 = arith.constant 4 : i32
          %mul3A_175 = arith.muli %scan3A_143, %mul3A_174 : i32
          %add3A_176 = arith.constant 1 : i32
          %add3A_177 = arith.addi %mul3A_175, %add3A_176 : i32
          %get3A_178 = arith.index_cast %add3A_177 : i32 to index
          %get3A_179 = arith.constant 0 : index
          %get3A_180 = tpu.vector_load %arg9[%get3A_178, %get3A_179] {strides = array<i32>} : memref<200x32xf32, #tpu.memory_space<vmem>>, vector<1x16xf32>,
          %get3A_181 = vector.shape_cast %get3A_180 : vector<1x16xf32> to vector<16xf32>
          %get3A_182 = arith.index_cast %add3A_177 : i32 to index
          %get3A_183 = arith.constant 0 : index
          %get3A_184 = tpu.vector_load %arg7[%get3A_182, %get3A_183] {strides = array<i32>} : memref<200x32xf32, #tpu.memory_space<vmem>>, vector<1x16xf32>,
          %get3A_185 = vector.shape_cast %get3A_184 : vector<1x16xf32> to vector<16xf32>
          %add3A_186 = arith.addf %get3A_181, %get3A_185 : vector<16xf32>
          %swap3A_187 = arith.index_cast %add3A_177 : i32 to index
          %swap3A_188 = arith.constant 0 : index
          %swap3A_189 = tpu.vector_load %arg9[%swap3A_187, %swap3A_188] {strides = array<i32>} : memref<200x32xf32, #tpu.memory_space<vmem>>, vector<1x16xf32>,
          %swap3A_190 = vector.shape_cast %swap3A_189 : vector<1x16xf32> to vector<16xf32>
          %swap3A_191 = vector.shape_cast %add3A_186 : vector<16xf32> to vector<1x16xf32>
          tpu.vector_store %arg9[%swap3A_187, %swap3A_188], %swap3A_191 {strides = array<i32>} : memref<200x32xf32, #tpu.memory_space<vmem>>, vector<1x16xf32>,
          %get3A_192 = arith.index_cast %add3A_177 : i32 to index
          %get3A_193 = arith.constant 16 : index
          %get3A_194 = tpu.vector_load %arg9[%get3A_192, %get3A_193] {strides = array<i32>} : memref<200x32xf32, #tpu.memory_space<vmem>>, vector<1x16xf32>,
          %get3A_195 = vector.shape_cast %get3A_194 : vector<1x16xf32> to vector<16xf32>
          %get3A_196 = arith.index_cast %add3A_177 : i32 to index
          %get3A_197 = arith.constant 16 : index
          %get3A_198 = tpu.vector_load %arg7[%get3A_196, %get3A_197] {strides = array<i32>} : memref<200x32xf32, #tpu.memory_space<vmem>>, vector<1x16xf32>,
          %get3A_199 = vector.shape_cast %get3A_198 : vector<1x16xf32> to vector<16xf32>
          %add3A_200 = arith.addf %get3A_195, %get3A_199 : vector<16xf32>
          %swap3A_201 = arith.index_cast %add3A_177 : i32 to index
          %swap3A_202 = arith.constant 16 : index
          %swap3A_203 = tpu.vector_load %arg9[%swap3A_201, %swap3A_202] {strides = array<i32>} : memref<200x32xf32, #tpu.memory_space<vmem>>, vector<1x16xf32>,
          %swap3A_204 = vector.shape_cast %swap3A_203 : vector<1x16xf32> to vector<16xf32>
          %swap3A_205 = vector.shape_cast %add3A_200 : vector<16xf32> to vector<1x16xf32>
          tpu.vector_store %arg9[%swap3A_201, %swap3A_202], %swap3A_205 {strides = array<i32>} : memref<200x32xf32, #tpu.memory_space<vmem>>, vector<1x16xf32>,
          %mul3A_206 = arith.constant 4 : i32
          %mul3A_207 = arith.muli %scan3A_143, %mul3A_206 : i32
          %add3A_208 = arith.constant 2 : i32
          %add3A_209 = arith.addi %mul3A_207, %add3A_208 : i32
          %get3A_210 = arith.index_cast %add3A_209 : i32 to index
          %get3A_211 = arith.constant 0 : index
          %get3A_212 = tpu.vector_load %arg9[%get3A_210, %get3A_211] {strides = array<i32>} : memref<200x32xf32, #tpu.memory_space<vmem>>, vector<1x16xf32>,
          %get3A_213 = vector.shape_cast %get3A_212 : vector<1x16xf32> to vector<16xf32>
          %get3A_214 = arith.index_cast %add3A_209 : i32 to index
          %get3A_215 = arith.constant 0 : index
          %get3A_216 = tpu.vector_load %arg7[%get3A_214, %get3A_215] {strides = array<i32>} : memref<200x32xf32, #tpu.memory_space<vmem>>, vector<1x16xf32>,
          %get3A_217 = vector.shape_cast %get3A_216 : vector<1x16xf32> to vector<16xf32>
          %add3A_218 = arith.addf %get3A_213, %get3A_217 : vector<16xf32>
          %swap3A_219 = arith.index_cast %add3A_209 : i32 to index
          %swap3A_220 = arith.constant 0 : index
          %swap3A_221 = tpu.vector_load %arg9[%swap3A_219, %swap3A_220] {strides = array<i32>} : memref<200x32xf32, #tpu.memory_space<vmem>>, vector<1x16xf32>,
          %swap3A_222 = vector.shape_cast %swap3A_221 : vector<1x16xf32> to vector<16xf32>
          %swap3A_223 = vector.shape_cast %add3A_218 : vector<16xf32> to vector<1x16xf32>
          tpu.vector_store %arg9[%swap3A_219, %swap3A_220], %swap3A_223 {strides = array<i32>} : memref<200x32xf32, #tpu.memory_space<vmem>>, vector<1x16xf32>,
          %get3A_224 = arith.index_cast %add3A_209 : i32 to index
          %get3A_225 = arith.constant 16 : index
          %get3A_226 = tpu.vector_load %arg9[%get3A_224, %get3A_225] {strides = array<i32>} : memref<200x32xf32, #tpu.memory_space<vmem>>, vector<1x16xf32>,
          %get3A_227 = vector.shape_cast %get3A_226 : vector<1x16xf32> to vector<16xf32>
          %get3A_228 = arith.index_cast %add3A_209 : i32 to index
          %get3A_229 = arith.constant 16 : index
          %get3A_230 = tpu.vector_load %arg7[%get3A_228, %get3A_229] {strides = array<i32>} : memref<200x32xf32, #tpu.memory_space<vmem>>, vector<1x16xf32>,
          %get3A_231 = vector.shape_cast %get3A_230 : vector<1x16xf32> to vector<16xf32>
          %add3A_232 = arith.addf %get3A_227, %get3A_231 : vector<16xf32>
          %swap3A_233 = arith.index_cast %add3A_209 : i32 to index
          %swap3A_234 = arith.constant 16 : index
          %swap3A_235 = tpu.vector_load %arg9[%swap3A_233, %swap3A_234] {strides = array<i32>} : memref<200x32xf32, #tpu.memory_space<vmem>>, vector<1x16xf32>,
          %swap3A_236 = vector.shape_cast %swap3A_235 : vector<1x16xf32> to vector<16xf32>
          %swap3A_237 = vector.shape_cast %add3A_232 : vector<16xf32> to vector<1x16xf32>
          tpu.vector_store %arg9[%swap3A_233, %swap3A_234], %swap3A_237 {strides = array<i32>} : memref<200x32xf32, #tpu.memory_space<vmem>>, vector<1x16xf32>,
          %mul3A_238 = arith.constant 4 : i32
          %mul3A_239 = arith.muli %scan3A_143, %mul3A_238 : i32
          %add3A_240 = arith.constant 3 : i32
          %add3A_241 = arith.addi %mul3A_239, %add3A_240 : i32
          %get3A_242 = arith.index_cast %add3A_241 : i32 to index
          %get3A_243 = arith.constant 0 : index
          %get3A_244 = tpu.vector_load %arg9[%get3A_242, %get3A_243] {strides = array<i32>} : memref<200x32xf32, #tpu.memory_space<vmem>>, vector<1x16xf32>,
          %get3A_245 = vector.shape_cast %get3A_244 : vector<1x16xf32> to vector<16xf32>
          %get3A_246 = arith.index_cast %add3A_241 : i32 to index
          %get3A_247 = arith.constant 0 : index
          %get3A_248 = tpu.vector_load %arg7[%get3A_246, %get3A_247] {strides = array<i32>} : memref<200x32xf32, #tpu.memory_space<vmem>>, vector<1x16xf32>,
          %get3A_249 = vector.shape_cast %get3A_248 : vector<1x16xf32> to vector<16xf32>
          %add3A_250 = arith.addf %get3A_245, %get3A_249 : vector<16xf32>
          %swap3A_251 = arith.index_cast %add3A_241 : i32 to index
          %swap3A_252 = arith.constant 0 : index
          %swap3A_253 = tpu.vector_load %arg9[%swap3A_251, %swap3A_252] {strides = array<i32>} : memref<200x32xf32, #tpu.memory_space<vmem>>, vector<1x16xf32>,
          %swap3A_254 = vector.shape_cast %swap3A_253 : vector<1x16xf32> to vector<16xf32>
          %swap3A_255 = vector.shape_cast %add3A_250 : vector<16xf32> to vector<1x16xf32>
          tpu.vector_store %arg9[%swap3A_251, %swap3A_252], %swap3A_255 {strides = array<i32>} : memref<200x32xf32, #tpu.memory_space<vmem>>, vector<1x16xf32>,
          %get3A_256 = arith.index_cast %add3A_241 : i32 to index
          %get3A_257 = arith.constant 16 : index
          %get3A_258 = tpu.vector_load %arg9[%get3A_256, %get3A_257] {strides = array<i32>} : memref<200x32xf32, #tpu.memory_space<vmem>>, vector<1x16xf32>,
          %get3A_259 = vector.shape_cast %get3A_258 : vector<1x16xf32> to vector<16xf32>
          %get3A_260 = arith.index_cast %add3A_241 : i32 to index
          %get3A_261 = arith.constant 16 : index
          %get3A_262 = tpu.vector_load %arg7[%get3A_260, %get3A_261] {strides = array<i32>} : memref<200x32xf32, #tpu.memory_space<vmem>>, vector<1x16xf32>,
          %get3A_263 = vector.shape_cast %get3A_262 : vector<1x16xf32> to vector<16xf32>
          %add3A_264 = arith.addf %get3A_259, %get3A_263 : vector<16xf32>
          %swap3A_265 = arith.index_cast %add3A_241 : i32 to index
          %swap3A_266 = arith.constant 16 : index
          %swap3A_267 = tpu.vector_load %arg9[%swap3A_265, %swap3A_266] {strides = array<i32>} : memref<200x32xf32, #tpu.memory_space<vmem>>, vector<1x16xf32>,
          %swap3A_268 = vector.shape_cast %swap3A_267 : vector<1x16xf32> to vector<16xf32>
          %swap3A_269 = vector.shape_cast %add3A_264 : vector<16xf32> to vector<1x16xf32>
          tpu.vector_store %arg9[%swap3A_265, %swap3A_266], %swap3A_269 {strides = array<i32>} : memref<200x32xf32, #tpu.memory_space<vmem>>, vector<1x16xf32>,
        }
        %scan3A_124 = arith.constant 50 : i32
        %add3A_125 = arith.addi %mul3A_2, %scan3A_83 : i32
        %dma_start3A_126 = arith.constant 1 : i32
        %dma_start3A_127 = arith.constant 0 : i32
        %dma_start3A_128 = arith.constant 0 : i32
        %dma_start3A_129 = tpu.memref_slice %arg5[%add3A_125, %dma_start3A_127, %dma_start3A_128] : memref<4096x200x32xf32, #tpu.memory_space<hbm>> -> memref<1x200x32xf32, #tpu.memory_space<hbm>>
        %dma_start3A_130 = tpu.memref_squeeze %dma_start3A_129 : memref<1x200x32xf32, #tpu.memory_space<hbm>> -> memref<200x32xf32, #tpu.memory_space<hbm>>
        %dma_start3A_131 = tpu.memref_slice %arg11[%dma_start3A_126] : memref<2x!tpu.dma_semaphore, #tpu.memory_space<semaphore_mem>> -> memref<1x!tpu.dma_semaphore, #tpu.memory_space<semaphore_mem>>
        %dma_start3A_132 = tpu.memref_squeeze %dma_start3A_131 : memref<1x!tpu.dma_semaphore, #tpu.memory_space<semaphore_mem>> -> memref<!tpu.dma_semaphore, #tpu.memory_space<semaphore_mem>>
        %dma_start3A_133 = arith.constant 0 : i32
        %dma_start3A_134 = arith.constant 0 : i32
        %dma_start3A_135 = tpu.memref_slice %arg5[%add3A_125, %dma_start3A_133, %dma_start3A_134] : memref<4096x200x32xf32, #tpu.memory_space<hbm>> -> memref<1x200x32xf32, #tpu.memory_space<hbm>>
        %dma_start3A_136 = tpu.memref_squeeze %dma_start3A_135 : memref<1x200x32xf32, #tpu.memory_space<hbm>> -> memref<200x32xf32, #tpu.memory_space<hbm>>
        tpu.enqueue_dma source(%arg9 : memref<200x32xf32, #tpu.memory_space<vmem>>) target(%dma_start3A_136 : memref<200x32xf32, #tpu.memory_space<hbm>>) target_semaphore(%dma_start3A_132 : memref<!tpu.dma_semaphore, #tpu.memory_space<semaphore_mem>>)
        %add3A_137 = arith.constant 2 : i32
        %add3A_138 = arith.addi %scan3A_83, %add3A_137 : i32
        %lt3A = arith.constant 128 : i32
        %lt3A_139 = arith.cmpi slt, %add3A_138, %lt3A : i32
        %convert_element_type3A_140 = arith.extui %lt3A_139 : i1 to i32
        %cond3A_141 = arith.constant 0 : i32
        %cond3A_142 = arith.cmpi ne, %convert_element_type3A_140, %cond3A_141 : i32
        scf.if %cond3A_142 {
          %add3A_143 = arith.constant 2 : i32
          %add3A_144 = arith.addi %scan3A_83, %add3A_143 : i32
          %dma_start3A_145 = arith.constant 1 : i32
          %dma_start3A_146 = arith.constant 0 : i32
          %dma_start3A_147 = arith.constant 0 : i32
          %dma_start3A_148 = tpu.memref_slice %arg9[%dma_start3A_146, %dma_start3A_147] : memref<200x32xf32, #tpu.memory_space<vmem>> -> memref<128x32xf32, #tpu.memory_space<vmem>>
          %dma_start3A_149 = arith.constant 0 : i32
          %dma_start3A_150 = tpu.memref_slice %arg6[%add3A_144, %dma_start3A_149] : memref<128x200xi32, #tpu.memory_space<vmem>> -> memref<1x128xi32, #tpu.memory_space<vmem>>
          %dma_start3A_151 = tpu.memref_squeeze %dma_start3A_150 : memref<1x128xi32, #tpu.memory_space<vmem>> -> memref<128xi32, #tpu.memory_space<vmem>>
          %dma_start3A_152 = arith.constant 0 : i32
          %dma_start3A_153 = arith.constant 0 : i32
          %dma_start3A_154 = tpu.memref_slice %arg2[%dma_start3A_152, %dma_start3A_153] : memref<1015808x32xf32, #tpu.memory_space<hbm>> -> memref<1015808x32xf32, #tpu.memory_space<hbm>>
          %dma_start3A_155 = tpu.memref_slice %arg10[%dma_start3A_145] : memref<2x!tpu.dma_semaphore, #tpu.memory_space<semaphore_mem>> -> memref<1x!tpu.dma_semaphore, #tpu.memory_space<semaphore_mem>>
          %dma_start3A_156 = tpu.memref_squeeze %dma_start3A_155 : memref<1x!tpu.dma_semaphore, #tpu.memory_space<semaphore_mem>> -> memref<!tpu.dma_semaphore, #tpu.memory_space<semaphore_mem>>
          tpu.enqueue_indirect_dma source(%dma_start3A_154 : memref<1015808x32xf32, #tpu.memory_space<hbm>>) target(%dma_start3A_148 : memref<128x32xf32, #tpu.memory_space<vmem>>) offsets(%dma_start3A_151 : memref<128xi32, #tpu.memory_space<vmem>>) semaphore(%dma_start3A_156 : memref<!tpu.dma_semaphore, #tpu.memory_space<semaphore_mem>>)
          %dma_start3A_157 = arith.constant 1 : i32
          %dma_start3A_158 = arith.constant 128 : i32
          %dma_start3A_159 = arith.constant 0 : i32
          %dma_start3A_160 = tpu.memref_slice %arg9[%dma_start3A_158, %dma_start3A_159] : memref<200x32xf32, #tpu.memory_space<vmem>> -> memref<72x32xf32, #tpu.memory_space<vmem>>
          %dma_start3A_161 = arith.constant 128 : i32
          %dma_start3A_162 = tpu.memref_slice %arg6[%add3A_144, %dma_start3A_161] : memref<128x200xi32, #tpu.memory_space<vmem>> -> memref<1x72xi32, #tpu.memory_space<vmem>>
          %dma_start3A_163 = tpu.memref_squeeze %dma_start3A_162 : memref<1x72xi32, #tpu.memory_space<vmem>> -> memref<72xi32, #tpu.memory_space<vmem>>
          %dma_start3A_164 = arith.constant 0 : i32
          %dma_start3A_165 = arith.constant 0 : i32
          %dma_start3A_166 = tpu.memref_slice %arg2[%dma_start3A_164, %dma_start3A_165] : memref<1015808x32xf32, #tpu.memory_space<hbm>> -> memref<1015808x32xf32, #tpu.memory_space<hbm>>
          %dma_start3A_167 = tpu.memref_slice %arg10[%dma_start3A_157] : memref<2x!tpu.dma_semaphore, #tpu.memory_space<semaphore_mem>> -> memref<1x!tpu.dma_semaphore, #tpu.memory_space<semaphore_mem>>
          %dma_start3A_168 = tpu.memref_squeeze %dma_start3A_167 : memref<1x!tpu.dma_semaphore, #tpu.memory_space<semaphore_mem>> -> memref<!tpu.dma_semaphore, #tpu.memory_space<semaphore_mem>>
          tpu.enqueue_indirect_dma source(%dma_start3A_166 : memref<1015808x32xf32, #tpu.memory_space<hbm>>) target(%dma_start3A_160 : memref<72x32xf32, #tpu.memory_space<vmem>>) offsets(%dma_start3A_163 : memref<72xi32, #tpu.memory_space<vmem>>) semaphore(%dma_start3A_168 : memref<!tpu.dma_semaphore, #tpu.memory_space<semaphore_mem>>)
        } else {
        }
      } else {
      }
    }
    %scan3A_57 = arith.constant 128 : i32
    %add3A_58 = arith.constant 126 : i32
    %add3A_59 = arith.addi %mul3A_2, %add3A_58 : i32
    %dma_wait3A = arith.constant 0 : i32
    %dma_wait3A_60 = arith.constant 0 : i32
    %dma_wait3A_61 = arith.constant 0 : i32
    %dma_wait3A_62 = tpu.memref_slice %arg5[%add3A_59, %dma_wait3A_60, %dma_wait3A_61] : memref<4096x200x32xf32, #tpu.memory_space<hbm>> -> memref<1x200x32xf32, #tpu.memory_space<hbm>>
    %dma_wait3A_63 = tpu.memref_squeeze %dma_wait3A_62 : memref<1x200x32xf32, #tpu.memory_space<hbm>> -> memref<200x32xf32, #tpu.memory_space<hbm>>
    %dma_wait3A_64 = tpu.memref_slice %arg11[%dma_wait3A] : memref<2x!tpu.dma_semaphore, #tpu.memory_space<semaphore_mem>> -> memref<1x!tpu.dma_semaphore, #tpu.memory_space<semaphore_mem>>
    %dma_wait3A_65 = tpu.memref_squeeze %dma_wait3A_64 : memref<1x!tpu.dma_semaphore, #tpu.memory_space<semaphore_mem>> -> memref<!tpu.dma_semaphore, #tpu.memory_space<semaphore_mem>>
    %dma_wait3A_66 = arith.constant 0 : i32
    %dma_wait3A_67 = arith.constant 0 : i32
    %dma_wait3A_68 = tpu.memref_slice %arg5[%add3A_59, %dma_wait3A_66, %dma_wait3A_67] : memref<4096x200x32xf32, #tpu.memory_space<hbm>> -> memref<1x200x32xf32, #tpu.memory_space<hbm>>
    %dma_wait3A_69 = tpu.memref_squeeze %dma_wait3A_68 : memref<1x200x32xf32, #tpu.memory_space<hbm>> -> memref<200x32xf32, #tpu.memory_space<hbm>>
    tpu.wait_dma2 semaphore(%dma_wait3A_65 : memref<!tpu.dma_semaphore, #tpu.memory_space<semaphore_mem>>) src(%arg8 : memref<200x32xf32, #tpu.memory_space<vmem>>) dst(%dma_wait3A_69 : memref<200x32xf32, #tpu.memory_space<hbm>>)
    %add3A_70 = arith.constant 127 : i32
    %add3A_71 = arith.addi %mul3A_2, %add3A_70 : i32
    %dma_wait3A_72 = arith.constant 1 : i32
    %dma_wait3A_73 = arith.constant 0 : i32
    %dma_wait3A_74 = arith.constant 0 : i32
    %dma_wait3A_75 = tpu.memref_slice %arg5[%add3A_71, %dma_wait3A_73, %dma_wait3A_74] : memref<4096x200x32xf32, #tpu.memory_space<hbm>> -> memref<1x200x32xf32, #tpu.memory_space<hbm>>
    %dma_wait3A_76 = tpu.memref_squeeze %dma_wait3A_75 : memref<1x200x32xf32, #tpu.memory_space<hbm>> -> memref<200x32xf32, #tpu.memory_space<hbm>>
    %dma_wait3A_77 = tpu.memref_slice %arg11[%dma_wait3A_72] : memref<2x!tpu.dma_semaphore, #tpu.memory_space<semaphore_mem>> -> memref<1x!tpu.dma_semaphore, #tpu.memory_space<semaphore_mem>>
    %dma_wait3A_78 = tpu.memref_squeeze %dma_wait3A_77 : memref<1x!tpu.dma_semaphore, #tpu.memory_space<semaphore_mem>> -> memref<!tpu.dma_semaphore, #tpu.memory_space<semaphore_mem>>
    %dma_wait3A_79 = arith.constant 0 : i32
    %dma_wait3A_80 = arith.constant 0 : i32
    %dma_wait3A_81 = tpu.memref_slice %arg5[%add3A_71, %dma_wait3A_79, %dma_wait3A_80] : memref<4096x200x32xf32, #tpu.memory_space<hbm>> -> memref<1x200x32xf32, #tpu.memory_space<hbm>>
    %dma_wait3A_82 = tpu.memref_squeeze %dma_wait3A_81 : memref<1x200x32xf32, #tpu.memory_space<hbm>> -> memref<200x32xf32, #tpu.memory_space<hbm>>
    tpu.wait_dma2 semaphore(%dma_wait3A_78 : memref<!tpu.dma_semaphore, #tpu.memory_space<semaphore_mem>>) src(%arg9 : memref<200x32xf32, #tpu.memory_space<vmem>>) dst(%dma_wait3A_82 : memref<200x32xf32, #tpu.memory_space<hbm>>)
    return
  }
}

module attributes {stable_mosaic.version = 14 : i64} {
  func.func @_tk_body(%arg0: i32, %arg1: memref<32x4096xf32, #tpu.memory_space<vmem>>, %arg2: memref<32x4096xf32, #tpu.memory_space<vmem>>, %arg3: memref<32x4096xf32, #tpu.memory_space<vmem>>, %arg4: memref<32x4096xf32, #tpu.memory_space<vmem>>, %arg5: memref<4096x128xf32, #tpu.memory_space<vmem>>) attributes {dimension_semantics = [#tpu.dimension_semantics<arbitrary>], iteration_bounds = array<i64: 62>, scalar_prefetch = 0 : i64, scratch_operands = 0 : i64, tpu.core_type = #tpu.core_type<tc>, window_params = [{transform_indices = @transform_0, window_bounds = array<i64: 32, 4096>}, {transform_indices = @transform_1, window_bounds = array<i64: 32, 4096>}, {transform_indices = @transform_2, window_bounds = array<i64: 32, 4096>}, {transform_indices = @transform_3, window_bounds = array<i64: 32, 4096>}, {transform_indices = @transform_4, window_bounds = array<i64: 4096, 128>}]} {
    %iota3A = tpu.iota {dimensions = array<i32: 0>} : vector<32x32xi32>
    %iota3A_0 = tpu.iota {dimensions = array<i32: 1>} : vector<32x32xi32>
    %add3A = arith.constant 0 : i32
    %add3A_1 = vector.broadcast %add3A : i32 to vector<32x32xi32>
    %add3A_2 = arith.addi %iota3A, %add3A_1 : vector<32x32xi32>
    %eq3A = arith.cmpi eq, %add3A_2, %iota3A_0 : vector<32x32xi32>
    %convert_element_type3A = arith.extui %eq3A : vector<32x32xi1> to vector<32x32xi32>
    %convert_element_type3A_3 = arith.sitofp %convert_element_type3A : vector<32x32xi32> to vector<32x32xf32>
    %mul3A = arith.constant 5.65685415 : f32
    %mul3A_4 = vector.broadcast %mul3A : f32 to vector<32x32xf32>
    %mul3A_5 = arith.mulf %convert_element_type3A_3, %mul3A_4 : vector<32x32xf32>
    %get3A = arith.constant 0 : index
    %get3A_6 = arith.constant 0 : index
    %get3A_7 = vector.load %arg1[%get3A, %get3A_6] : memref<32x4096xf32, #tpu.memory_space<vmem>>, vector<32x4096xf32>
    %dot_general3A = arith.constant dense<0.000000e+00> : vector<4096x32xf32>
    %dot_general3A_8 = tpu.matmul %get3A_7, %mul3A_5, %dot_general3A {dimension_numbers = #tpu.dot_dimension_numbers<[0], [0], [1], [1], [0, 1, 1, 1], [], []>, transpose_lhs_hint = false} : vector<32x4096xf32>, vector<32x32xf32>, vector<4096x32xf32> -> vector<4096x32xf32>
    %swap3A = arith.constant 0 : index
    %swap3A_9 = arith.constant 0 : index
    %swap3A_10 = vector.load %arg5[%swap3A, %swap3A_9] : memref<4096x128xf32, #tpu.memory_space<vmem>>, vector<4096x32xf32>
    tpu.vector_store %arg5[%swap3A, %swap3A_9], %dot_general3A_8 {strides = array<i32>} : memref<4096x128xf32, #tpu.memory_space<vmem>>, vector<4096x32xf32>,
    %get3A_11 = arith.constant 0 : index
    %get3A_12 = arith.constant 0 : index
    %get3A_13 = vector.load %arg2[%get3A_11, %get3A_12] : memref<32x4096xf32, #tpu.memory_space<vmem>>, vector<32x4096xf32>
    %dot_general3A_14 = arith.constant dense<0.000000e+00> : vector<4096x32xf32>
    %dot_general3A_15 = tpu.matmul %get3A_13, %mul3A_5, %dot_general3A_14 {dimension_numbers = #tpu.dot_dimension_numbers<[0], [0], [1], [1], [0, 1, 1, 1], [], []>, transpose_lhs_hint = false} : vector<32x4096xf32>, vector<32x32xf32>, vector<4096x32xf32> -> vector<4096x32xf32>
    %swap3A_16 = arith.constant 0 : index
    %swap3A_17 = arith.constant 32 : index
    %swap3A_18 = vector.load %arg5[%swap3A_16, %swap3A_17] : memref<4096x128xf32, #tpu.memory_space<vmem>>, vector<4096x32xf32>
    tpu.vector_store %arg5[%swap3A_16, %swap3A_17], %dot_general3A_15 {strides = array<i32>} : memref<4096x128xf32, #tpu.memory_space<vmem>>, vector<4096x32xf32>,
    %get3A_19 = arith.constant 0 : index
    %get3A_20 = arith.constant 0 : index
    %get3A_21 = vector.load %arg3[%get3A_19, %get3A_20] : memref<32x4096xf32, #tpu.memory_space<vmem>>, vector<32x4096xf32>
    %dot_general3A_22 = arith.constant dense<0.000000e+00> : vector<4096x32xf32>
    %dot_general3A_23 = tpu.matmul %get3A_21, %mul3A_5, %dot_general3A_22 {dimension_numbers = #tpu.dot_dimension_numbers<[0], [0], [1], [1], [0, 1, 1, 1], [], []>, transpose_lhs_hint = false} : vector<32x4096xf32>, vector<32x32xf32>, vector<4096x32xf32> -> vector<4096x32xf32>
    %swap3A_24 = arith.constant 0 : index
    %swap3A_25 = arith.constant 64 : index
    %swap3A_26 = vector.load %arg5[%swap3A_24, %swap3A_25] : memref<4096x128xf32, #tpu.memory_space<vmem>>, vector<4096x32xf32>
    tpu.vector_store %arg5[%swap3A_24, %swap3A_25], %dot_general3A_23 {strides = array<i32>} : memref<4096x128xf32, #tpu.memory_space<vmem>>, vector<4096x32xf32>,
    %get3A_27 = arith.constant 0 : index
    %get3A_28 = arith.constant 0 : index
    %get3A_29 = vector.load %arg4[%get3A_27, %get3A_28] : memref<32x4096xf32, #tpu.memory_space<vmem>>, vector<32x4096xf32>
    %dot_general3A_30 = arith.constant dense<0.000000e+00> : vector<4096x32xf32>
    %dot_general3A_31 = tpu.matmul %get3A_29, %mul3A_5, %dot_general3A_30 {dimension_numbers = #tpu.dot_dimension_numbers<[0], [0], [1], [1], [0, 1, 1, 1], [], []>, transpose_lhs_hint = false} : vector<32x4096xf32>, vector<32x32xf32>, vector<4096x32xf32> -> vector<4096x32xf32>
    %swap3A_32 = arith.constant 0 : index
    %swap3A_33 = arith.constant 96 : index
    %swap3A_34 = vector.load %arg5[%swap3A_32, %swap3A_33] : memref<4096x128xf32, #tpu.memory_space<vmem>>, vector<4096x32xf32>
    tpu.vector_store %arg5[%swap3A_32, %swap3A_33], %dot_general3A_31 {strides = array<i32>} : memref<4096x128xf32, #tpu.memory_space<vmem>>, vector<4096x32xf32>,
    return
  }
  func.func @transform_0(%arg0: i32) -> (i32, i32) {
    %add3A = arith.constant 0 : i32
    %add3A_0 = arith.addi %arg0, %add3A : i32
    %min3A = arith.constant 244 : i32
    %min3A_1 = arith.minsi %add3A_0, %min3A : i32
    %c0_i32 = arith.constant 0 : i32
    %c0_i32_2 = arith.constant 0 : i32
    return %c0_i32, %min3A_1 : i32, i32
  }
  func.func @transform_1(%arg0: i32) -> (i32, i32) {
    %add3A = arith.constant 62 : i32
    %add3A_0 = arith.addi %arg0, %add3A : i32
    %min3A = arith.constant 244 : i32
    %min3A_1 = arith.minsi %add3A_0, %min3A : i32
    %c0_i32 = arith.constant 0 : i32
    %c0_i32_2 = arith.constant 0 : i32
    return %c0_i32, %min3A_1 : i32, i32
  }
  func.func @transform_2(%arg0: i32) -> (i32, i32) {
    %add3A = arith.constant 124 : i32
    %add3A_0 = arith.addi %arg0, %add3A : i32
    %min3A = arith.constant 244 : i32
    %min3A_1 = arith.minsi %add3A_0, %min3A : i32
    %c0_i32 = arith.constant 0 : i32
    %c0_i32_2 = arith.constant 0 : i32
    return %c0_i32, %min3A_1 : i32, i32
  }
  func.func @transform_3(%arg0: i32) -> (i32, i32) {
    %add3A = arith.constant 186 : i32
    %add3A_0 = arith.addi %arg0, %add3A : i32
    %min3A = arith.constant 244 : i32
    %min3A_1 = arith.minsi %add3A_0, %min3A : i32
    %c0_i32 = arith.constant 0 : i32
    %c0_i32_2 = arith.constant 0 : i32
    return %c0_i32, %min3A_1 : i32, i32
  }
  func.func @transform_4(%arg0: i32) -> (i32, i32) {
    %c0_i32 = arith.constant 0 : i32
    %c0_i32_0 = arith.constant 0 : i32
    return %arg0, %c0_i32 : i32, i32
  }
}

</mosaic_0001>

<sc_bundles>
// kernel: kernel.4.cloned.1.call-start
scs
__scs_entry_jumppad:
0x0: {  	(pc) =	sbr.rel $0x88, $3  }
0x1: {  	(tag) =	ssettag $0x0;
	lr =	simm.s32 $0x1  }
0x2: {  	[smem:$0x3F9F] =	sst lr;
	_ =	strace $0xD0000000  }
0x3: {  	_ = 	snop  }
0x4: {  	_ = 	snop  }
0x5: {  	_ = 	snop  }
0x6: {  	_ = 	snop  }
0x7: {  	_ = 	snop  }
__scs_overlays_trampoline_lowered:
0x8: {  	[smem:$0x3FAE] =	sst s0  }
0x9: {  	[smem:$0x3FAF] =	sst s1  }
0xa: {  	[smem:$0x3FB0] =	sst s2  }
0xb: {  	[smem:$0x3FB1] =	sst s3  }
0xc: {  	[smem:$0x3FB2] =	sst s4  }
0xd: {  	[smem:$0x3FB3] =	sst s5  }
0xe: {  	[smem:$0x3FB4] =	sst s6  }
0xf: {  	[smem:$0x3FB5] =	sst s7  }
0x10: {  	[smem:$0x3FB6] =	sst s8  }
0x11: {  	[smem:$0x3FB7] =	sst s9;
	s0 =	simm.s32 @!p0 $0x0  }
0x12: {  	s1 =	sld [smem:$0x3F9D];
	s0 =	simm.s32 @p0 $0x1  }
0x13: {  	[smem:$0x3FB8] =	sst s0;
	s0 =	simm.s32 @!p1 $0x0  }
0x14: {  	s2 =	sld [smem:$0x3F9C];
	s0 =	simm.s32 @p1 $0x1  }
0x15: {  	[smem:$0x3FB9] =	sst s0;
	s0 =	simm.s32 @!p2 $0x0  }
0x16: {  	s3 =	sld [smem:$0x3FDB];
	s0 =	simm.s32 @p2 $0x1  }
0x17: {  	s4 =	simm.s32 $0x1BF5;
	[smem:$0x3FBB] =	sst s0  }
0x18: {  	s0 =	sld [smem:$0x3F9E];
	_ =	swait.ge [sflag:s4], $0x0  }
0x19: {  	s7 =	sld [smem:$0x3F9F]  }
0x1a: {  	s8 =	sadd.s32 $0xFFFFE003, lr  }
0x1b: {  	s9 =	sadd.s32 $0xFFFFFEF7, lr;
	s5 =	simm.s32 $0xFFFFFFFF;
	p2 =	slt.u32 s8, $0xFFFFF086  }
0x1c: {  	p1 =	slt.u32 s9, $0xF7A;
	s5 =	simm.s32 @!p2 $0x0  }
0x1d: {  	s5 =	simm.s32 @p1 $0x1;
	p0 =	seq.s32 s7, s2  }
0x1e: {  	s7 =	smul.u32 @!p0 $0xF7A, s2;
	p2 =	seq.s32 @!p0 s5, $0x0  }
0x1f: {  	s9 =	smul.u32 $0xF7A, s1;
	s8 =	simm.s32 @!p0 $0x1BF5;
	p2 =	por !p2, p0  }
0x20: {  	[sflag:s8] =	ssyncset.s32 @!p0 $0xFFFFF086;
	s6 =	sadd.s32 @!p0 s3, s7;
	s7 =	simm.s32 @!p0 $0x108  }
0x21: {  	s3 =	sadd.s32 s3, s9;
	s6 =	sadd.s32 @!p0 $0x88, s6;
	s7 =	simm.s32 @p2 $0x1082  }
0x22: {  	[simem:s7], [sflag:s8] =	dma.local @!p0 [hbm:s6], $0xF7A  }
0x23: {  	s9 =	sor.u32 $0xD0000000, s2;
	s6 =	simm.s32 $0x108;
	_ =	swait.ge @!p0 [sflag:s8], $0x0  }
0x24: {  	s3 =	sadd.s32 $0x88, s3;
	s6 =	simm.s32 @!p1 $0x1082;
	[sflag:s4] =	ssyncset.s32 $0xFFFFF086  }
0x25: {  	[simem:s6], [sflag:s4] =	dma.local [hbm:s3], $0xF7A  }
0x26: {  	[smem:$0x3F9F] =	sst s1;
	(tag) =	ssettag s2;
	_ =	strace s9  }
0x27: {  	s1 =	sld [smem:$0x3FAF]  }
0x28: {  	s2 =	sld [smem:$0x3FB0]  }
0x29: {  	s4 =	sld [smem:$0x3FB2]  }
0x2a: {  	p0 =	seq.s32 s5, $0x0;
	s5 =	sld [smem:$0x3FB3]  }
0x2b: {  	s6 =	sld [smem:$0x3FB4]  }
0x2c: {  	s7 =	sld [smem:$0x3FB5]  }
0x2d: {  	s3 =	simm.s32 $0x108;
	s8 =	sld [smem:$0x3FB6]  }
0x2e: {  	s3 =	simm.s32 @!p0 $0x1082;
	s9 =	sld [smem:$0x3FB7]  }
0x2f: {  	lr =	sadd.s32 s0, s3;
	s0 =	sld [smem:$0x3FAE]  }
0x30: {  	s3 =	sld [smem:$0x3FB1]  }
0x31: {  	[smem:$0x3FBA] =	sst s10  }
0x32: {  	s10 =	sld [smem:$0x3FB8];
	_ =	sdelay $0x3  }
0x33: {  	p0 =	seq.s32 s10, $0x1;
	s10 =	sld [smem:$0x3FBA];
	_ =	sdelay $0x3  }
0x34: {  	[smem:$0x3FBA] =	sst s10  }
0x35: {  	s10 =	sld [smem:$0x3FB9];
	_ =	sdelay $0x3  }
0x36: {  	p1 =	seq.s32 s10, $0x1;
	s10 =	sld [smem:$0x3FBA];
	_ =	sdelay $0x3  }
0x37: {  	[smem:$0x3FBA] =	sst s10  }
0x38: {  	s10 =	sld [smem:$0x3FBB]  }
0x39: {  	_ = 	snop;
	(pc) =	sbr.ind lr, $3  }
0x3a: {  	_ = 	snop  }
0x3b: {  	_ = 	snop  }
0x3c: {  	p2 =	seq.s32 s10, $0x1;
	s10 =	sld [smem:$0x3FBA]  }
0x3d: {  	_ =	shalt  }
0x3e: {  	_ =	shalt  }
0x3f: {  	_ =	shalt  }
0x40: {  	_ =	shalt  }
0x41: {  	_ =	shalt  }
0x42: {  	_ =	shalt  }
0x43: {  	_ =	shalt  }
0x44: {  	_ =	shalt  }
0x45: {  	_ =	shalt  }
0x46: {  	_ =	shalt  }
0x47: {  	_ =	shalt  }
0x48: {  	_ =	shalt  }
0x49: {  	_ =	shalt  }
0x4a: {  	_ =	shalt  }
0x4b: {  	_ =	shalt  }
0x4c: {  	_ =	shalt  }
0x4d: {  	_ =	shalt  }
0x4e: {  	_ =	shalt  }
0x4f: {  	_ =	shalt  }
0x50: {  	_ =	shalt  }
0x51: {  	_ =	shalt  }
0x52: {  	_ =	shalt  }
0x53: {  	_ =	shalt  }
0x54: {  	_ =	shalt  }
0x55: {  	_ =	shalt  }
0x56: {  	_ =	shalt  }
0x57: {  	_ =	shalt  }
0x58: {  	_ =	shalt  }
0x59: {  	_ =	shalt  }
0x5a: {  	_ =	shalt  }
0x5b: {  	_ =	shalt  }
0x5c: {  	_ =	shalt  }
0x5d: {  	_ =	shalt  }
0x5e: {  	_ =	shalt  }
0x5f: {  	_ =	shalt  }
0x60: {  	_ =	shalt  }
0x61: {  	_ =	shalt  }
0x62: {  	_ =	shalt  }
0x63: {  	_ =	shalt  }
0x64: {  	_ =	shalt  }
0x65: {  	_ =	shalt  }
0x66: {  	_ =	shalt  }
0x67: {  	_ =	shalt  }
0x68: {  	_ =	shalt  }
0x69: {  	_ =	shalt  }
0x6a: {  	_ =	shalt  }
0x6b: {  	_ =	shalt  }
0x6c: {  	_ =	shalt  }
0x6d: {  	_ =	shalt  }
0x6e: {  	_ =	shalt  }
0x6f: {  	_ =	shalt  }
0x70: {  	_ =	shalt  }
0x71: {  	_ =	shalt  }
0x72: {  	_ =	shalt  }
0x73: {  	_ =	shalt  }
0x74: {  	_ =	shalt  }
0x75: {  	_ =	shalt  }
0x76: {  	_ =	shalt  }
0x77: {  	_ =	shalt  }
0x78: {  	_ =	shalt  }
0x79: {  	_ =	shalt  }
0x7a: {  	_ =	shalt  }
0x7b: {  	_ =	shalt  }
0x7c: {  	_ =	shalt  }
0x7d: {  	_ =	shalt  }
0x7e: {  	_ =	shalt  }
0x7f: {  	_ =	shalt  }
0x80: {  	_ =	shalt  }
0x81: {  	_ =	shalt  }
0x82: {  	_ =	shalt  }
0x83: {  	_ =	shalt  }
0x84: {  	_ =	shalt  }
0x85: {  	_ =	shalt  }
0x86: {  	_ =	shalt  }
0x87: {  	_ =	shalt  }
.Lfunc_end0:
.L_simem_size_0:
called_computation.1_lowered:
.L_overlay_start_0:
0x88: {  	s2 =	sld [smem:$0x3FD9]  }
0x89: {  	s3 =	sld [smem:$0x3FFE];
	_ =	sdelay $0x1  }
0x8a: {  	s1 =	srdreg.scid  }
0x8b: {  	s0 =	sand.u32 $0x1, s1  }
0x8c: {  	s17 =	sshll.u32 s0, $0xA;
	s2 =	sadd.s32 s3, s2  }
0x8d: {  	s2 =	sadd.s32 s2, s17  }
0x8e: {  	[smem:$0x3FC6] =	sst s2  }
0x8f: {  	_ = 	snop  }
0x90: {  	s2 =	sld [smem:$0x3FD0];
	(tm) =	ssettm $0x1  }
0x91: {  	s18 =	sld [smem:$0x3FFB];
	_ =	sdelay $0x3  }
0x92: {  	_ =	strace s18  }
0x93: {  	s3 =	sld [smem:$0x3FFC];
	_ =	sdelay $0x3  }
0x94: {  	_ =	strace s3  }
0x95: {  	s3 =	sld [smem:$0x3FFD];
	_ =	sdelay $0x3  }
0x96: {  	_ =	strace s3  }
0x97: {  	_ =	strace $0x8FFFFFFF  }
0x98: {  	s19 =	sld [smem:$0x3FDB];
	_ =	sdelay $0x1  }
0x99: {  	s4 =	simm.s32 $_scs_section_size  }
0x9a: {  	s5 =	simm.s32 $_size__tile_overlayer_lowered;
	s6 =	simm.s32 $_tile_overlayer_lowered  }
0x9b: {  	s22 =	simm.s32 $0x1BFF;
	s21 =	sshll.u32 s6, $0x1;
	s3 =	sadd.s32 s4, s19  }
0x9c: {  	s7 =	simm.s32 $0x0;
	s20 =	sshll.u32 s5, $0x1;
	s5 =	sadd.s32 s21, s3  }
0x9d: {  	[timem:s7], [sflag:s22] =	dma.local [hbm:s5], s20  }
0x9e: {  	_ =	swait.ge [sflag:s22], s20  }
0x9f: {  	s4 =	ssub.s32 $0x0, s20;
	[sflag:s22] =	ssyncset.done $0x0  }
0xa0: {  	[sflag:s22] =	ssyncadd.s32 s4;
	_ =	sdelay $0x1  }
0xa1: {  	s23 =	simm.s32 $0x1B8B  }
0xa2: {  	_ =	swait.ge [sflag:s23], $0x1  }
0xa3: {  	[sflag:s23] =	ssyncset.done $0x0  }
0xa4: {  	s25 =	simm.s32 $0x1B8E;
	s24 =	sld [smem:$0x3FFE];
	[sflag:s23] =	ssyncadd.s32 $0xFFFFFFFF  }
0xa5: {  	s26 =	simm.s32 $execute0_lowered;
	[smem:$0x3FD2] =	sst s25  }
0xa6: {  	s5 =	sshll.u32 s26, $0x1;
	_ =	strace $0x80000046;
	[dreg:$0x1] =	wrdreg $0xFFFFFFFF  }
0xa7: {  	s28 =	simm.s32 $_size_execute0_lowered;
	s3 =	sadd.s32 s3, s5;
	[dreg:$0x0] =	wrdreg $0x0  }
0xa8: {  	s5 =	sshll.u32 s28, $0x1;
	[dreg:$0x2] =	wrdreg s3  }
0xa9: {  	[dreg:$0x3] =	wrdreg s5  }
0xaa: {  	[dreg:$0x4] =	wrdreg $0xC0  }
0xab: {  	_ =	task [dreg:s7], $0x5FFFF  }
0xac: {  	[dreg:$0x1] =	wrdreg $0xFFFFFFFF  }
0xad: {  	[dreg:$0x0] =	wrdreg $0x60  }
0xae: {  	[dreg:$0x2] =	wrdreg s24  }
0xaf: {  	[dreg:$0x3] =	wrdreg s2  }
0xb0: {  	[dreg:$0x4] =	wrdreg $0x9  }
0xb1: {  	_ =	task.clear_ibuf [dreg:s7], $0x5FFFF;
	_ =	strace $0x90000046  }
0xb2: {  	s29 =	simm.s32 $0x9;
	_ =	strace $0x80000048  }
0xb3: {  	_ =	swait.ge [sflag:s29], $0x1  }
0xb4: {  	[sflag:s29] =	ssyncadd.s32 $0xFFFFFFFF  }
0xb5: {  	_ =	strace $0x90000048  }
0xb6: {  	_ =	sfence  }
0xb7: {  	s30 =	sld [smem:$0x0];
	_ =	sdelay $0x2  }
0xb8: {  	s31 =	sshll.u32 s1, $0xD;
	s1 =	sshrl.u32 s1, $0x2  }
0xb9: {  	s3 =	sand.u32 $0x4000, s31;
	s1 =	sadd.s32 s1, s30  }
0xba: {  	s0 =	sor.u32 s3, s0;
	s1 =	sshll.u32 s1, $0x11  }
0xbb: {  	s0 =	sor.u32 s1, s0  }
0xbc: {  	s0 =	sadd.s32 $0x8F2B, s0  }
0xbd: {  	[sflag:s0] =	ssyncadd.remote.s32 $0x1  }
0xbe: {  	_ =	sfence.sel $0xFFFF  }
0xbf: {  	[dreg:$0x0] =	wrdreg $0xFFFFFFFF;
	(pc) =	sbr.abs _section_cstart, $3  }
0xc0: {  	[dreg:$0x1] =	wrdreg $0xFFFFFFFF  }
0xc1: {  	_ =	task.clear_ibuf [dreg:s7], $0x2FFFF;
	_ =	strace $0x9FFFFFFF  }
0xc2: {  	(tm) =	ssettm $0x7FFFFFFF  }
0xc3: {  	_ =	shalt  }
tec
execute0_lowered:
.L_overlay_start_1:
0x0: {  	(tag) =	ssettag $0x1  }
0x1: {  	s1 =	srdreg.scid;
	s6 =	rddreg [dreg:$0x0]  }
0x2: {  	s0 =	stileid.u32;
	s2 =	rddreg [dreg:$0x1]  }
0x3: {  	s3 =	simm.s32 $0x0;
	s10 =	simm.s32 $0x6400;
	s11 =	simm.s32 $0x80  }
0x4: {  	s12 =	simm.s32 $0x7D00;
	s13 =	simm.s32 $0x48;
	s14 =	simm.s32 $0x8D00  }
0x5: {  	s15 =	simm.s32 $0xC8;
	s16 =	simm.s32 $0x9600;
	s17 =	simm.s32 $0x148  }
0x6: {  	s18 =	simm.s32 $0xA600;
	s19 =	simm.s32 $0x2;
	s20 =	simm.s32 $0x3  }
0x7: {  	s21 =	simm.s32 $0x4;
	s22 =	simm.s32 $0x1;
	s5 =	sand.u32 $0x1, s1  }
0x8: {  	s23 =	simm.s32 $0x0;
	s4 =	sshll.u32 s0, $0x8;
	s7 =	sshll.u32 s5, $0x7  }
.Ltmp0:
0x9: {  	s1 =	rddreg [dreg:$0x2];
	s4 =	sor.u32 s7, s4;
	(pc) =	sbr.rel .LBB2_1-.Ltmp0, $4  }
0xa: {  	[smem:$0x7FF] =	sst s3;
	s8 =	ssub.s32 $0x2, s5;
	s7 =	smul.u32 $0x19, s4  }
0xb: {  	_ =	strace $0x80000047;
	s5 =	sadd.s32 $0x19C00, s6;
	s9 =	sshrl.u32 s8, $0x1  }
0xc: {  	s8 =	ssub.s32 s8, s9;
	s9 =	simm.s32 $0x5;
	s7 =	sadd.s32 s7, s6  }
0xd: {  	s8 =	smax.u32 s8, $0x1;
	s6 =	sadd.s32 $0x800, s6;
	s7 =	sadd.s32 $0xC00, s7  }
.LBB2_10:
0xe: {  	s23 =	sadd.s32 $0x1, s23  }
0xf: {  	_ =	swait.ge [sflag:s20], $0x1900;
	p0 =	sne.s32 s23, s8  }
.Ltmp1:
0x10: {  	[sflag:s20] =	ssyncset.done $0x0;
	(pc) =	sbr.rel @!p0 .LBB2_11-.Ltmp1, $4  }
0x11: {  	[sflag:s20] =	ssyncadd.s32 $0xFFFFE700  }
0x12: {  	_ =	swait.ge [sflag:s21], $0x1900  }
0x13: {  	[sflag:s21] =	ssyncset.done $0x0  }
0x14: {  	[sflag:s21] =	ssyncadd.s32 $0xFFFFE700  }
.LBB2_1:
0x15: {  	[tilespmem:s3], [sflag:$0x5] =	stream.linear.gather [hbm4b:s7+s3], $0x6400, $0x38;
	[tilespmem:$0xAF00] =	vst v63  }
0x16: {  	_ =	swait.ge [sflag:s9], $0x6400  }
0x17: {  	[sflag:s9] =	ssyncset.done $0x0  }
0x18: {  	[sflag:s9] =	ssyncadd.s32 $0xFFFF9C00  }
0x19: {  	[tilespmem:s10], [sflag:$0x5] =	stream.linear.gather [hbm4b:s6+s3], $0x1900, $0x38;
	[tilespmem:$0xAF00] =	vst v63  }
0x1a: {  	_ =	swait.ge [sflag:s9], $0x1900  }
0x1b: {  	[sflag:s9] =	ssyncset.done $0x0  }
0x1c: {  	[sflag:s9] =	ssyncadd.s32 $0xFFFFE700  }
0x1d: {  	[tilespmem:s12], [sflag:$0x1] =	stream.indirect.gather [hbm4b:s5+s11], $0x20, s3, s11, $0xb8;
	[tilespmem:$0xAF00] =	vst v63  }
0x1e: {  	_ = 	snop  }
0x1f: {  	[tilespmem:s14], [sflag:$0x1] =	stream.indirect.gather [hbm4b:s5+s13], $0x20, s11, s13, $0xb8;
	[tilespmem:$0xAF00] =	vst v63  }
.Ltmp2:
0x20: {  	_ = 	snop;
	(pc) =	sbr.rel .LBB2_2-.Ltmp2, $4  }
0x21: {  	_ = 	snop  }
0x22: {  	[tilespmem:s16], [sflag:$0x2] =	stream.indirect.gather [hbm4b:s5+s11], $0x20, s15, s11, $0xb8;
	[tilespmem:$0xAF00] =	vst v63  }
0x23: {  	s24 =	simm.s32 $0x0  }
0x24: {  	[tilespmem:s18], [sflag:$0x2] =	stream.indirect.gather [hbm4b:s5+s13], $0x20, s17, s13, $0xb8;
	[tilespmem:$0xAF00] =	vst v63  }
.LBB2_5:
0x25: {  	[tilespmem:s25+$0x7D00] =	vst v12;
	v5 =	vadd.f32 v5, v10;
	v63 =	vld [tilespmem:s25+$0x7D70]  }
0x26: {  	[tilespmem:s25+$0x7D10] =	vst v11;
	v4 =	vadd.f32 v4, v9  }
0x27: {  	v3 =	vadd.f32 v3, v8;
	s26 =	sadd.s32 s4, s24;
	[tilespmem:s25+$0x7D20] =	vst v5  }
0x28: {  	v2 =	vadd.f32 v2, v6;
	s26 =	smul.u32 $0x320, s26;
	[tilespmem:s25+$0x7D30] =	vst v4  }
0x29: {  	v1 =	vadd.f32 v1, v7;
	p0 =	sgt.u32 s24, $0x7D;
	[tilespmem:s25+$0x7D40] =	vst v3  }
0x2a: {  	[tilespmem:s25+$0x7D50] =	vst v2;
	s31 =	sadd.s32 s2, s26;
	s26 =	smul.u32 @!p0 $0x320, s24;
	v0 =	vadd.f32 v0, v63  }
0x2b: {  	[tilespmem:s25+$0x7D60] =	vst v1  }
0x2c: {  	[tilespmem:s25+$0x7D70] =	vst v0;
	s25 =	sshra.s32 @!p0 s26, $0x2  }
0x2d: {  	[hbm4b:s31+s3] =	stream.linear.scatter [tilespmem:s12], [sflag:$0x3], $0x1900, $0x38;
	[tilespmem:$0xAF00] =	vst v63  }
0x2e: {  	s28 =	simm.s32 @!p0 $0x80;
	s29 =	simm.s32 @!p0 $0x7D00;
	s26 =	sadd.s32 @!p0 $0x190, s25  }
0x2f: {  	[tilespmem:s29], [sflag:$0x1] =	stream.indirect.gather @!p0 [hbm4b:s5+s28], $0x20, s26, s28, $0xb8;
	[tilespmem:$0xAF00] =	vst v63  }
0x30: {  	s25 =	sadd.s32 @!p0 $0x210, s25;
	s26 =	simm.s32 @!p0 $0x48;
	s28 =	simm.s32 @!p0 $0x8D00  }
0x31: {  	[tilespmem:s28], [sflag:$0x1] =	stream.indirect.gather @!p0 [hbm4b:s5+s26], $0x20, s25, s26, $0xb8;
	[tilespmem:$0xAF00] =	vst v63  }
.LBB2_9:
0x32: {  	s24 =	sadd.s32 $0x1, s24  }
0x33: {  	p0 =	sne.s32 s24, $0x80  }
.Ltmp3:
0x34: {  	_ = 	snop;
	(pc) =	sbr.rel @!p0 .LBB2_10-.Ltmp3, $1  }
0x35: {  	_ =	sdelay $0x3  }
.LBB2_2:
0x36: {  	s25 =	sand.u32 $0x1, s24  }
0x37: {  	p1 =	seq.s32 s25, $0x1  }
.Ltmp4:
0x38: {  	_ = 	snop;
	(pc) =	sbr.rel @!p1 .LBB2_3-.Ltmp4, $2  }
0x39: {  	_ =	sdelay $0x2  }
0x3a: {  	p0 =	slt.u32 s24, $0x2  }
0x3b: {  	_ =	swait.ge [sflag:s19], $0x1000  }
0x3c: {  	[sflag:s19] =	ssyncset.done $0x0  }
0x3d: {  	[sflag:s19] =	ssyncadd.s32 $0xFFFFF000  }
0x3e: {  	_ =	swait.ge [sflag:s19], $0x900  }
0x3f: {  	[sflag:s19] =	ssyncset.done $0x0  }
0x40: {  	s25 =	simm.s32 @!p0 $0x4;
	[sflag:s19] =	ssyncadd.s32 $0xFFFFF700  }
0x41: {  	_ =	swait.ge @!p0 [sflag:s25], $0x1900  }
0x42: {  	[sflag:s25] =	ssyncset.done @!p0 $0x0  }
0x43: {  	[sflag:s25] =	ssyncadd.s32 @!p0 $0xFFFFE700;
	s25 =	simm.s32 $0x0  }
0x44: {  	v7 =	vld [tilespmem:s25+$0x6400]  }
0x45: {  	v11 =	vld [tilespmem:s25+$0x6410]  }
0x46: {  	v5 =	vld [tilespmem:s25+$0x6420]  }
0x47: {  	v4 =	vld [tilespmem:s25+$0x6430]  }
0x48: {  	v3 =	vld [tilespmem:s25+$0x6440]  }
0x49: {  	v2 =	vld [tilespmem:s25+$0x6450]  }
0x4a: {  	v1 =	vld [tilespmem:s25+$0x6460]  }
0x4b: {  	v0 =	vld [tilespmem:s25+$0x6470]  }
0x4c: {  	v12 =	vld [tilespmem:s25+$0x9600]  }
0x4d: {  	v13 =	vld [tilespmem:s25+$0x9610]  }
0x4e: {  	v10 =	vld [tilespmem:s25+$0x9620]  }
0x4f: {  	v9 =	vld [tilespmem:s25+$0x9630]  }
0x50: {  	v8 =	vld [tilespmem:s25+$0x9640]  }
0x51: {  	v6 =	vld [tilespmem:s25+$0x9650];
	v12 =	vadd.f32 v7, v12  }
0x52: {  	s26 =	simm.s32 $0x200;
	v11 =	vadd.f32 v11, v13;
	v7 =	vld [tilespmem:s25+$0x9660]  }
.LBB2_7:
0x53: {  	s28 =	sshra.s32 s26, $0x2;
	p0 =	sne.s32 s26, $0x6200;
	[tilespmem:s25+$0x9600] =	vst v12;
	v5 =	vadd.f32 v5, v10;
	v10 =	vld [tilespmem:s25+$0x9670]  }
0x54: {  	v12 =	vld [tilespmem:s28+$0x6400];
	[tilespmem:s25+$0x9610] =	vst v11;
	v4 =	vadd.f32 v4, v9  }
0x55: {  	v11 =	vld [tilespmem:s28+$0x6410];
	[tilespmem:s25+$0x9620] =	vst v5;
	v3 =	vadd.f32 v3, v8  }
0x56: {  	v5 =	vld [tilespmem:s28+$0x6420];
	[tilespmem:s25+$0x9630] =	vst v4;
	v2 =	vadd.f32 v2, v6  }
0x57: {  	v4 =	vld [tilespmem:s28+$0x6430];
	[tilespmem:s25+$0x9640] =	vst v3;
	v1 =	vadd.f32 v1, v7  }
0x58: {  	v3 =	vld [tilespmem:s28+$0x6440];
	[tilespmem:s25+$0x9650] =	vst v2;
	v0 =	vadd.f32 v0, v10  }
0x59: {  	v2 =	vld [tilespmem:s28+$0x6450];
	[tilespmem:s25+$0x9660] =	vst v1  }
0x5a: {  	v1 =	vld [tilespmem:s28+$0x6460];
	[tilespmem:s25+$0x9670] =	vst v0;
	s25 =	smov.u32 s28  }
0x5b: {  	v0 =	vld [tilespmem:s25+$0x6470]  }
0x5c: {  	v6 =	vld [tilespmem:s25+$0x9600]  }
0x5d: {  	v7 =	vld [tilespmem:s25+$0x9610]  }
.Ltmp5:
0x5e: {  	v10 =	vld [tilespmem:s25+$0x9620];
	(pc) =	sbr.rel @p0 .LBB2_7-.Ltmp5, $4  }
0x5f: {  	v9 =	vld [tilespmem:s25+$0x9630]  }
0x60: {  	v8 =	vld [tilespmem:s25+$0x9640]  }
0x61: {  	v12 =	vadd.f32 v12, v6;
	v6 =	vld [tilespmem:s25+$0x9650]  }
0x62: {  	s26 =	sadd.s32 $0x200, s26;
	v11 =	vadd.f32 v11, v7;
	v7 =	vld [tilespmem:s25+$0x9660]  }
0x63: {  	[tilespmem:s25+$0x9600] =	vst v12;
	v5 =	vadd.f32 v5, v10;
	v63 =	vld [tilespmem:s25+$0x9670]  }
0x64: {  	[tilespmem:s25+$0x9610] =	vst v11;
	v4 =	vadd.f32 v4, v9  }
0x65: {  	[tilespmem:s25+$0x9620] =	vst v5;
	v3 =	vadd.f32 v3, v8  }
0x66: {  	[tilespmem:s25+$0x9630] =	vst v4;
	v2 =	vadd.f32 v2, v6  }
0x67: {  	s26 =	sadd.s32 s4, s24;
	[tilespmem:s25+$0x9640] =	vst v3;
	v1 =	vadd.f32 v1, v7  }
0x68: {  	s26 =	smul.u32 $0x320, s26;
	[tilespmem:s25+$0x9650] =	vst v2;
	v0 =	vadd.f32 v0, v63  }
0x69: {  	p0 =	sgt.u32 s24, $0x7D;
	[tilespmem:s25+$0x9660] =	vst v1  }
0x6a: {  	s31 =	sadd.s32 s2, s26;
	s26 =	smul.u32 @!p0 $0x320, s24;
	[tilespmem:s25+$0x9670] =	vst v0  }
0x6b: {  	[hbm4b:s31+s3] =	stream.linear.scatter [tilespmem:s16], [sflag:$0x4], $0x1900, $0x38;
	[tilespmem:$0xAF00] =	vst v63  }
.Ltmp6:
0x6c: {  	s25 =	sshra.s32 @!p0 s26, $0x2;
	(pc) =	sbr.rel .LBB2_9-.Ltmp6, $4  }
0x6d: {  	s28 =	simm.s32 @!p0 $0x80;
	s29 =	simm.s32 @!p0 $0x9600;
	s26 =	sadd.s32 @!p0 $0x190, s25  }
0x6e: {  	[tilespmem:s29], [sflag:$0x2] =	stream.indirect.gather @!p0 [hbm4b:s5+s28], $0x20, s26, s28, $0xb8;
	[tilespmem:$0xAF00] =	vst v63  }
0x6f: {  	s25 =	sadd.s32 @!p0 $0x210, s25;
	s26 =	simm.s32 @!p0 $0x48;
	s28 =	simm.s32 @!p0 $0xA600  }
0x70: {  	[tilespmem:s28], [sflag:$0x2] =	stream.indirect.gather @!p0 [hbm4b:s5+s26], $0x20, s25, s26, $0xb8;
	[tilespmem:$0xAF00] =	vst v63  }
.LBB2_3:
0x71: {  	_ =	swait.ge [sflag:s22], $0x1000  }
0x72: {  	[sflag:s22] =	ssyncset.done $0x0  }
0x73: {  	[sflag:s22] =	ssyncadd.s32 $0xFFFFF000  }
0x74: {  	_ =	swait.ge [sflag:s22], $0x900  }
0x75: {  	[sflag:s22] =	ssyncset.done $0x0  }
0x76: {  	s25 =	simm.s32 @!p0 $0x3;
	[sflag:s22] =	ssyncadd.s32 $0xFFFFF700  }
0x77: {  	_ =	swait.ge @!p0 [sflag:s25], $0x1900  }
0x78: {  	[sflag:s25] =	ssyncset.done @!p0 $0x0  }
0x79: {  	[sflag:s25] =	ssyncadd.s32 @!p0 $0xFFFFE700;
	s25 =	simm.s32 $0x0  }
0x7a: {  	v7 =	vld [tilespmem:s25+$0x6400]  }
0x7b: {  	v11 =	vld [tilespmem:s25+$0x6410]  }
0x7c: {  	v5 =	vld [tilespmem:s25+$0x6420]  }
0x7d: {  	v4 =	vld [tilespmem:s25+$0x6430]  }
0x7e: {  	v3 =	vld [tilespmem:s25+$0x6440]  }
0x7f: {  	v2 =	vld [tilespmem:s25+$0x6450]  }
0x80: {  	v1 =	vld [tilespmem:s25+$0x6460]  }
0x81: {  	v0 =	vld [tilespmem:s25+$0x6470]  }
0x82: {  	v12 =	vld [tilespmem:s25+$0x7D00]  }
0x83: {  	v13 =	vld [tilespmem:s25+$0x7D10]  }
0x84: {  	v10 =	vld [tilespmem:s25+$0x7D20]  }
0x85: {  	v9 =	vld [tilespmem:s25+$0x7D30]  }
0x86: {  	v8 =	vld [tilespmem:s25+$0x7D40]  }
0x87: {  	v6 =	vld [tilespmem:s25+$0x7D50];
	v12 =	vadd.f32 v7, v12  }
0x88: {  	s26 =	simm.s32 $0x200;
	v11 =	vadd.f32 v11, v13;
	v7 =	vld [tilespmem:s25+$0x7D60]  }
.LBB2_4:
0x89: {  	s28 =	sshra.s32 s26, $0x2;
	p0 =	sne.s32 s26, $0x6200;
	[tilespmem:s25+$0x7D00] =	vst v12;
	v5 =	vadd.f32 v5, v10;
	v10 =	vld [tilespmem:s25+$0x7D70]  }
0x8a: {  	v4 =	vadd.f32 v4, v9;
	v12 =	vld [tilespmem:s28+$0x6400];
	[tilespmem:s25+$0x7D10] =	vst v11  }
0x8b: {  	v3 =	vadd.f32 v3, v8;
	v11 =	vld [tilespmem:s28+$0x6410];
	[tilespmem:s25+$0x7D20] =	vst v5  }
0x8c: {  	v2 =	vadd.f32 v2, v6;
	v5 =	vld [tilespmem:s28+$0x6420];
	[tilespmem:s25+$0x7D30] =	vst v4  }
0x8d: {  	v1 =	vadd.f32 v1, v7;
	v4 =	vld [tilespmem:s28+$0x6430];
	[tilespmem:s25+$0x7D40] =	vst v3  }
0x8e: {  	v3 =	vld [tilespmem:s28+$0x6440];
	[tilespmem:s25+$0x7D50] =	vst v2;
	v0 =	vadd.f32 v0, v10  }
0x8f: {  	v2 =	vld [tilespmem:s28+$0x6450];
	[tilespmem:s25+$0x7D60] =	vst v1  }
0x90: {  	v1 =	vld [tilespmem:s28+$0x6460];
	[tilespmem:s25+$0x7D70] =	vst v0;
	s25 =	smov.u32 s28  }
0x91: {  	v0 =	vld [tilespmem:s25+$0x6470]  }
0x92: {  	v6 =	vld [tilespmem:s25+$0x7D00]  }
0x93: {  	v7 =	vld [tilespmem:s25+$0x7D10]  }
.Ltmp7:
0x94: {  	v10 =	vld [tilespmem:s25+$0x7D20];
	(pc) =	sbr.rel @p0 .LBB2_4-.Ltmp7, $4  }
0x95: {  	v9 =	vld [tilespmem:s25+$0x7D30]  }
0x96: {  	v8 =	vld [tilespmem:s25+$0x7D40]  }
0x97: {  	v12 =	vadd.f32 v12, v6;
	v6 =	vld [tilespmem:s25+$0x7D50]  }
0x98: {  	s26 =	sadd.s32 $0x200, s26;
	v11 =	vadd.f32 v11, v7;
	v7 =	vld [tilespmem:s25+$0x7D60]  }
.Ltmp8:
0x99: {  	_ = 	snop;
	(pc) =	sbr.rel .LBB2_5-.Ltmp8, $1  }
0x9a: {  	_ =	sdelay $0x3  }
.LBB2_11:
0x9b: {  	_ =	sfence.sel $0x180000  }
0x9c: {  	[bflag:$0x0] =	sbarrier.arrive $0xFFFF  }
0x9d: {  	p0 =	sne.s32 s0, $0x0;
	_ =	strace $0x90000047  }
0x9e: {  	s0 =	sadd.s32 @!p0 $0x100000, s1;
	[bflag:$0x2] =	sbarrier.arrive $0xFFFF  }
0x9f: {  	[sflag:s0] =	ssyncadd.tile.s32 @!p0 $0x1;
	_ =	shalt  }
.Lfunc_end2:
_tile_overlayer_lowered:
.L_overlay_start_2:
0xa0: {  	(tag) =	ssettag $0x2  }
0xa1: {  	s0 =	rddreg [dreg:$0x0];
	s2 =	stileid.u32  }
0xa2: {  	s1 =	rddreg [dreg:$0x1];
	p0 =	sne.s32 s2, $0x0  }
0xa3: {  	s3 =	rddreg [dreg:$0x2];
	[bflag:$0x3] =	sbarrier.arrive $0xFFFF;
	s2 =	simm.s32 @!p0 $0x1C05  }
0xa4: {  	[timem:s3], [sflag:s2] =	dma.local @!p0 [hbm:s0], s1  }
0xa5: {  	s0 =	simm.s32 @!p0 $0x5  }
0xa6: {  	_ =	swait.ge @!p0 [sflag:s0], s1  }
0xa7: {  	s1 =	ssub.s32 @!p0 $0x0, s1;
	[sflag:s0] =	ssyncset.done @!p0 $0x0  }
0xa8: {  	[sflag:s0] =	ssyncadd.s32 @!p0 s1  }
0xa9: {  	[bflag:$0x3] =	sbarrier.arrive $0xFFFF  }
0xaa: {  	_ =	shalt  }

// kernel: sparse-core-data-format-call.cloned.1.call-start
scs
called_computation_lowered:
.L_overlay_start_0:
0x0: {  	s2 =	sld [smem:$0x3FD9]  }
0x1: {  	s3 =	sld [smem:$0x3FFE];
	_ =	sdelay $0x1  }
0x2: {  	s1 =	srdreg.scid  }
0x3: {  	s0 =	sand.u32 $0x1, s1  }
0x4: {  	s18 =	sshll.u32 s0, $0xA;
	s2 =	sadd.s32 s3, s2  }
0x5: {  	s2 =	sadd.s32 s2, s18  }
0x6: {  	[smem:$0x3FC6] =	sst s2  }
0x7: {  	_ = 	snop  }
0x8: {  	s2 =	sld [smem:$0x3FD0];
	(tm) =	ssettm $0x1  }
0x9: {  	s19 =	sld [smem:$0x3FFB];
	_ =	sdelay $0x3  }
0xa: {  	_ =	strace s19  }
0xb: {  	s3 =	sld [smem:$0x3FFC];
	_ =	sdelay $0x3  }
0xc: {  	_ =	strace s3  }
0xd: {  	s3 =	sld [smem:$0x3FFD];
	_ =	sdelay $0x3  }
0xe: {  	_ =	strace s3  }
0xf: {  	_ =	strace $0x8FFFFFFF  }
0x10: {  	s20 =	sld [smem:$0x3FDB];
	_ =	sdelay $0x1  }
0x11: {  	s4 =	simm.s32 $_scs_section_size  }
0x12: {  	s5 =	simm.s32 $_size__tile_overlayer_lowered;
	s6 =	simm.s32 $_tile_overlayer_lowered  }
0x13: {  	s23 =	simm.s32 $0x1BFF;
	s22 =	sshll.u32 s6, $0x1;
	s3 =	sadd.s32 s4, s20  }
0x14: {  	s7 =	simm.s32 $0x0;
	s21 =	sshll.u32 s5, $0x1;
	s5 =	sadd.s32 s22, s3  }
0x15: {  	[timem:s7], [sflag:s23] =	dma.local [hbm:s5], s21  }
0x16: {  	_ =	swait.ge [sflag:s23], s21  }
0x17: {  	s4 =	ssub.s32 $0x0, s21;
	[sflag:s23] =	ssyncset.done $0x0  }
0x18: {  	[sflag:s23] =	ssyncadd.s32 s4;
	_ =	sdelay $0x1  }
0x19: {  	s24 =	simm.s32 $0x1B8B  }
0x1a: {  	_ =	swait.ge [sflag:s24], $0x1  }
0x1b: {  	[sflag:s24] =	ssyncset.done $0x0  }
0x1c: {  	s26 =	simm.s32 $0x1B8E;
	s25 =	sld [smem:$0x3FFE];
	[sflag:s24] =	ssyncadd.s32 $0xFFFFFFFF  }
0x1d: {  	s27 =	simm.s32 $execute0_lowered;
	[smem:$0x3FD2] =	sst s26  }
0x1e: {  	s5 =	sshll.u32 s27, $0x1;
	_ =	strace $0x80000049;
	[dreg:$0x1] =	wrdreg $0xFFFFFFFF  }
0x1f: {  	s28 =	simm.s32 $_size_execute0_lowered;
	s3 =	sadd.s32 s3, s5;
	[dreg:$0x0] =	wrdreg $0x0  }
0x20: {  	s5 =	sshll.u32 s28, $0x1;
	[dreg:$0x2] =	wrdreg s3  }
0x21: {  	[dreg:$0x3] =	wrdreg s5  }
0x22: {  	[dreg:$0x4] =	wrdreg $0xC0  }
0x23: {  	_ =	task [dreg:s7], $0x5FFFF  }
0x24: {  	[dreg:$0x1] =	wrdreg $0xFFFFFFFF  }
0x25: {  	[dreg:$0x0] =	wrdreg $0x60  }
0x26: {  	[dreg:$0x2] =	wrdreg s25  }
0x27: {  	[dreg:$0x3] =	wrdreg s2  }
0x28: {  	[dreg:$0x4] =	wrdreg $0x9  }
0x29: {  	_ =	task.clear_ibuf [dreg:s7], $0x5FFFF;
	_ =	strace $0x90000049  }
0x2a: {  	s29 =	simm.s32 $0x9;
	_ =	strace $0x8000004B  }
0x2b: {  	_ =	swait.ge [sflag:s29], $0x1  }
0x2c: {  	[sflag:s29] =	ssyncadd.s32 $0xFFFFFFFF  }
0x2d: {  	_ =	strace $0x9000004B  }
0x2e: {  	_ =	sfence  }
0x2f: {  	s30 =	sld [smem:$0x0];
	_ =	sdelay $0x2  }
0x30: {  	s31 =	sshll.u32 s1, $0xD;
	s1 =	sshrl.u32 s1, $0x2  }
0x31: {  	s3 =	sand.u32 $0x4000, s31;
	s1 =	sadd.s32 s1, s30  }
0x32: {  	s0 =	sor.u32 s3, s0;
	s1 =	sshll.u32 s1, $0x11  }
0x33: {  	s0 =	sor.u32 s1, s0  }
0x34: {  	s0 =	sadd.s32 $0x8F2B, s0  }
0x35: {  	[sflag:s0] =	ssyncadd.remote.s32 $0x1  }
0x36: {  	_ =	sfence.sel $0xFFFF  }
0x37: {  	[dreg:$0x0] =	wrdreg $0xFFFFFFFF;
	(pc) =	sbr.abs _section_cstart, $3  }
0x38: {  	[dreg:$0x1] =	wrdreg $0xFFFFFFFF  }
0x39: {  	_ =	task.clear_ibuf [dreg:s7], $0x2FFFF;
	_ =	strace $0x9FFFFFFF  }
0x3a: {  	(tm) =	ssettm $0x7FFFFFFF  }
0x3b: {  	_ =	shalt  }
tec
execute0_lowered:
.L_overlay_start_1:
0x0: {  	(tag) =	ssettag $0x1  }
0x1: {  	s0 =	srdreg.scid  }
0x2: {  	s1 =	sshll.u32 s0, $0x4  }
0x3: {  	s0 =	stileid.u32;
	s1 =	sand.u32 $0x10, s1  }
0x4: {  	s1 =	sor.u32 s0, s1  }
0x5: {  	s6 =	rddreg [dreg:$0x0];
	s4 =	simm.s32 $0x1;
	s2 =	sshll.u32 s1, $0x7  }
0x6: {  	s7 =	simm.s32 $0x2;
	s12 =	simm.s32 $0x0;
	s1 =	ssub.s32 $0x1000, s2  }
0x7: {  	s8 =	simm.s32 $0x8000;
	s13 =	simm.s32 $0x0;
	s3 =	sand.u32 $0xF80, s1  }
0x8: {  	s9 =	simm.s32 $0x0;
	s5 =	sshrl.u32 s1, $0xC;
	p0 =	sne.s32 s3, $0x0  }
.Ltmp0:
0x9: {  	s1 =	rddreg [dreg:$0x2];
	s4 =	simm.s32 @!p0 $0x0;
	(pc) =	sbr.rel .LBB1_1-.Ltmp0, $4  }
0xa: {  	s11 =	simm.s32 $0x0;
	s3 =	rddreg [dreg:$0x1];
	s5 =	sadd.s32 s4, s5  }
0xb: {  	_ =	strace $0x8000004A;
	s4 =	simm.s32 $0x1;
	s5 =	smul.u32 $0xC8, s5  }
0xc: {  	s6 =	sadd.s32 $0x800, s6;
	s10 =	smov.u32 s2;
	[sflag:s4] =	ssyncpa.u1 $0x0  }
0xd: {  	p0 =	por $0x0, $0x0;
	[sflag:s7] =	ssyncpa.u1 $0x0;
	s7 =	sor.u32 $0x1, s5  }
.LBB1_4:
0xe: {  	s16 =	sshll.u32 s13, $0x3;
	s17 =	sand.u32 $0x78, s13  }
0xf: {  	s30 =	sand.u32 $0x3E00, s13;
	s12 =	sshll.u32 s12, $0xE;
	s16 =	sand.u32 $0xC00, s16  }
0x10: {  	s31 =	sand.u32 $0x7, s13;
	s16 =	sor.u32 s17, s16;
	s17 =	sadd.s32 s3, s30  }
0x11: {  	s13 =	sshll.u32 s31, $0x12;
	s16 =	sshrl.u32 s16, $0x3;
	s12 =	sadd.s32 s12, s17  }
0x12: {  	[tilespmem:s15+$0x0 ss:$0x81] =	vst.msk $0xffff, v0;
	s13 =	sor.u32 $0x400, s13;
	s12 =	sadd.s32 s16, s12  }
0x13: {  	[hbm4b:s12+s13] =	stream.strided.scatter [tilespmem:s14], [sflag:$0x2], $0x1000, s8, s13, $0x20;
	[tilespmem:$0x4040] =	vst v63  }
.LBB1_5:
0x14: {  	s14 =	sadd.s32 $0x1, s9  }
0x15: {  	s12 =	sadd.s32 $0x1000, s10;
	s16 =	smov.u32 s10;
	p2 =	sgt.s32 s14, $0xC7  }
0x16: {  	s16 =	smov.u32 @p2 s12  }
0x17: {  	s14 =	simm.s32 @p2 $0x0;
	p2 =	sgt.s32 s16, $0xFFF  }
0x18: {  	s16 =	smov.u32 @p2 s2;
	p2 =	sne.s32 s11, s7  }
.Ltmp1:
0x19: {  	p1 =	slt.u32 s11, $0x2;
	(pc) =	sbr.rel @!p2 .LBB1_6-.Ltmp1, $4  }
0x1a: {  	s15 =	simm.s32 @!p1 $0x2  }
0x1b: {  	s13 =	smov.u32 s10;
	p0 =	por !p0, !p0;
	_ =	swait.ge @!p1 [sflag:s15], $0x1000  }
0x1c: {  	s12 =	smov.u32 s9;
	[sflag:s15] =	ssyncset.done @!p1 $0x0;
	s9 =	smov.u32 s14  }
0x1d: {  	s11 =	sadd.s32 $0x1, s11;
	[sflag:s15] =	ssyncadd.s32 @!p1 $0xFFFFF000;
	s10 =	smov.u32 s16  }
.LBB1_1:
0x1e: {  	p1 =	sge.u32 s11, s5  }
0x1f: {  	s14 =	sand.u32 @!p1 $0x1FFFFFF, s9  }
0x20: {  	s15 =	smulhi.u32 @!p1 $0x147AE15, s14;
	_ =	sdelay $0x1  }
0x21: {  	s15 =	smul.u32 @!p1 $0xC8, s15  }
0x22: {  	s16 =	sxor.u32 @!p1 $0xFFFFFFFF, s11;
	s17 =	smul.u32 @!p1 $0xC80, s10  }
0x23: {  	s31 =	sadd.s32 $0xFFFFFFFF, s11;
	s16 =	sshll.u32 @!p1 s16, $0xC;
	s14 =	ssub.s32 @!p1 s14, s15  }
0x24: {  	s15 =	sand.u32 @!p1 $0x1000, s16;
	s16 =	sadd.s32 @!p1 s6, s17;
	s14 =	sshll.u32 @!p1 s14, $0x4  }
0x25: {  	s17 =	simm.s32 @!p1 $0x6400;
	s14 =	sadd.s32 @!p1 s14, s16;
	s16 =	simm.s32 @!p1 $0x20  }
0x26: {  	[tilespmem:s15], [sflag:$0x1] =	stream.strided.gather @!p1 [hbm4b:s14+s16], $0x1000, s17, s16, $0x38;
	[tilespmem:$0x4040] =	vst v63  }
0x27: {  	p1 =	sge.u32 s31, s5  }
.Ltmp2:
0x28: {  	_ = 	snop;
	(pc) =	sbr.rel @p1 .LBB1_5-.Ltmp2, $1  }
0x29: {  	_ =	sdelay $0x3  }
0x2a: {  	s14 =	simm.s32 $0x1  }
0x2b: {  	_ =	swait.ge [sflag:s4], $0x1000;
	s14 =	simm.s32 @!p0 $0x0  }
0x2c: {  	[sflag:s4] =	ssyncset.done $0x0;
	s15 =	sshll.u32 s14, $0xC  }
0x2d: {  	[sflag:s4] =	ssyncadd.s32 $0xFFFFF000;
	s18 =	sor.u32 $0x10, s15  }
0x2e: {  	s14 =	smul.u32 $0x4080, s14;
	v1 =	vld [tilespmem:s18+$0x0]  }
0x2f: {  	s30 =	sand.u32 $0x1, s11;
	v0 =	vld [tilespmem:s18+$0xFFFFFFF0]  }
0x30: {  	s15 =	smul.u32 $0x4080, s30;
	s14 =	sshrl.u32 s14, $0x2  }
0x31: {  	s16 =	sor.u32 $0x2000, s14  }
0x32: {  	s31 =	sshrl.u32 s15, $0x2;
	s15 =	sadd.s32 $0x0, s16  }
0x33: {  	s17 =	simm.s32 $0x4;
	s18 =	sadd.s32 $0x20, s18;
	s14 =	sor.u32 $0x2000, s31;
	[tilespmem:s15+$0x810 ss:$0x81] =	vst.msk $0xffff, v1  }
.LBB1_3:
0x34: {  	v1 =	vld [tilespmem:s18+$0x0];
	p1 =	sne.s32 s17, $0x1FC;
	[tilespmem:s15+$0x0 ss:$0x81] =	vst.msk $0xffff, v0;
	s15 =	smov.u32 s17;
	s17 =	sadd.s32 $0x4, s17  }
.Ltmp3:
0x35: {  	v0 =	vld [tilespmem:s18+$0xFFFFFFF0];
	(pc) =	sbr.rel @p1 .LBB1_3-.Ltmp3, $4  }
0x36: {  	_ = 	snop  }
0x37: {  	s15 =	sshra.s32 s15, $0x2  }
0x38: {  	s15 =	sadd.s32 s15, s16  }
0x39: {  	s18 =	sadd.s32 $0x20, s18;
	[tilespmem:s15+$0x810 ss:$0x81] =	vst.msk $0xffff, v1  }
.Ltmp4:
0x3a: {  	_ = 	snop;
	(pc) =	sbr.rel .LBB1_4-.Ltmp4, $1  }
0x3b: {  	_ =	sdelay $0x3  }
.LBB1_6:
0x3c: {  	_ =	sfence.sel $0x180000  }
0x3d: {  	s2 =	simm.s32 $0x1;
	[bflag:$0x0] =	sbarrier.arrive $0xFFFF  }
0x3e: {  	s31 =	simm.s32 $0x2;
	[sflag:s2] =	ssyncpa.u1 $0x1  }
0x3f: {  	[sflag:s31] =	ssyncpa.u1 $0x1  }
0x40: {  	p0 =	sne.s32 s0, $0x0;
	_ =	strace $0x9000004A  }
0x41: {  	s0 =	sadd.s32 @!p0 $0x100000, s1;
	[bflag:$0x2] =	sbarrier.arrive $0xFFFF  }
0x42: {  	[sflag:s0] =	ssyncadd.tile.s32 @!p0 $0x1;
	_ =	shalt  }
.Lfunc_end1:
_tile_overlayer_lowered:
.L_overlay_start_2:
0x43: {  	(tag) =	ssettag $0x2  }
0x44: {  	s0 =	rddreg [dreg:$0x0];
	s2 =	stileid.u32  }
0x45: {  	s1 =	rddreg [dreg:$0x1];
	p0 =	sne.s32 s2, $0x0  }
0x46: {  	s3 =	rddreg [dreg:$0x2];
	[bflag:$0x3] =	sbarrier.arrive $0xFFFF;
	s2 =	simm.s32 @!p0 $0x1C01  }
0x47: {  	[timem:s3], [sflag:s2] =	dma.local @!p0 [hbm:s0], s1  }
0x48: {  	s0 =	simm.s32 @!p0 $0x1  }
0x49: {  	_ =	swait.ge @!p0 [sflag:s0], s1  }
0x4a: {  	s1 =	ssub.s32 @!p0 $0x0, s1;
	[sflag:s0] =	ssyncset.done @!p0 $0x0  }
0x4b: {  	[sflag:s0] =	ssyncadd.s32 @!p0 s1  }
0x4c: {  	[bflag:$0x3] =	sbarrier.arrive $0xFFFF  }
0x4d: {  	_ =	shalt  }

</sc_bundles>
